<compile_context>
chip_gen: v7x
topology: tpu7x:2x2x1
jax: 0.10.2.dev20260603
libtpu: 0.0.44.dev20260713+nightly
codegen_flags: <defaults>
</compile_context>

<pallas_src>
import dataclasses
import functools

import jax
import jax.numpy as jnp
from jax import lax
from jax.experimental import pallas as pl
from jax.experimental.pallas import tpu as pltpu
from jax.experimental.pallas import tpu_sc as plsc

_N = 10000
_D = 128
_NPAD = 10240
_NC, _NS, _L = 2, 16, 16
_NW = _NC * _NS
_EPAD = 327680
_B = 128
_CH = _EPAD // (_NW * _B)
_DCH = _EPAD // (_NW * 128)
_STRIPE = _NPAD // _NS

_mesh = plsc.VectorSubcoreMesh(core_axis_name="c", subcore_axis_name="s")

_cp = pltpu.CompilerParams()
if "needs_layout_passes" in pltpu.CompilerParams.__dataclass_fields__:
    _cp = dataclasses.replace(_cp, needs_layout_passes=False)


def _deg_partials(dst2d):

    @functools.partial(
        pl.kernel,
        out_type=jax.ShapeDtypeStruct((_NW, _NPAD), jnp.float32),
        mesh=_mesh,
        compiler_params=_cp,
        scratch_types=[
            pltpu.VMEM((_DCH, 128), jnp.int32),
            pltpu.VMEM((_NPAD,), jnp.float32),
        ],
    )
    def k(dst_hbm, out_hbm, idx_v, hist_v):
        c = lax.axis_index("c")
        s = lax.axis_index("s")
        wid = c * _NS + s
        pltpu.sync_copy(dst_hbm.at[pl.ds(wid * _DCH, _DCH)], idx_v)

        @pl.loop(0, _NPAD, step=_L)
        def _zero(i):
            hist_v[pl.ds(i, _L)] = jnp.zeros((_L,), jnp.float32)

        ones = jnp.ones((_L,), jnp.float32)

        @pl.loop(0, _DCH)
        def _row(r):
            @pl.loop(0, 128, step=_L)
            def _vec(t):
                idx = idx_v[r, pl.ds(t, _L)]
                plsc.addupdate_scatter(hist_v, [idx], ones)

        pltpu.sync_copy(hist_v, out_hbm.at[wid])

    return k(dst2d)


def _hop(h, src2d, dst2d):

    @functools.partial(
        pl.kernel,
        out_type=jax.ShapeDtypeStruct((_NC, _NPAD, _D), jnp.float32),
        mesh=_mesh,
        scratch_types=[
            pltpu.VMEM((_CH // 2, _B), jnp.int32),
            pltpu.VMEM((_CH // 2, _B), jnp.int32),
            pltpu.VMEM((_B, _D), jnp.float32),
            pltpu.VMEM((_B, _D), jnp.float32),
            pltpu.VMEM_SHARED((_NPAD, _D), jnp.float32),
            pltpu.SemaphoreType.DMA,
            pltpu.SemaphoreType.DMA,
        ],
    )
    def k(h_hbm, src_hbm, dst_hbm, out_hbm, si_v, di_v, rows0, rows1, acc, sem0, sem1):
        c = lax.axis_index("c")
        s = lax.axis_index("s")
        wid = c * _NS + s
        hch = _CH // 2

        @pl.loop(0, _B)
        def _zrow(r):
            @pl.loop(0, _D, step=_L)
            def _zvec(t):
                rows0[r, pl.ds(t, _L)] = jnp.zeros((_L,), jnp.float32)

        @pl.loop(0, _STRIPE, step=_B)
        def _zacc(i):
            pltpu.sync_copy(rows0, acc.at[pl.ds(s * _STRIPE + i, _B)])

        plsc.subcore_barrier()

        @pl.loop(0, 2)
        def _half(p):
            base = wid * _CH + p * hch
            pltpu.sync_copy(src_hbm.at[pl.ds(base, hch)], si_v)
            pltpu.sync_copy(dst_hbm.at[pl.ds(base, hch)], di_v)
            pltpu.async_copy(h_hbm.at[si_v.at[0]], rows0, sem0)

            @pl.loop(0, hch, step=2)
            def _edge(j):
                pltpu.async_copy(h_hbm.at[si_v.at[j + 1]], rows1, sem1)
                pltpu.make_async_copy(h_hbm.at[si_v.at[0]], rows0, sem0).wait()
                pltpu.sync_copy(rows0, acc.at[di_v.at[j]], add=True)

                @pl.when(j + 2 < hch)
                def _pref():
                    pltpu.async_copy(h_hbm.at[si_v.at[j + 2]], rows0, sem0)

                pltpu.make_async_copy(h_hbm.at[si_v.at[0]], rows1, sem1).wait()
                pltpu.sync_copy(rows1, acc.at[di_v.at[j + 1]], add=True)

        plsc.subcore_barrier()
        pltpu.sync_copy(
            acc.at[pl.ds(s * _STRIPE, _STRIPE)],
            out_hbm.at[c].at[pl.ds(s * _STRIPE, _STRIPE)],
        )

    return k(h, src2d, dst2d)


def _prep(parts, x, w):

    def body(p_ref, x_ref, w_ref, h1_ref, n_ref):
        deg = jnp.sum(p_ref[...], axis=0)
        norm = lax.rsqrt(jnp.maximum(deg, 1.0))
        n_col = norm[:, None]
        n_ref[...] = n_col
        y = jnp.dot(x_ref[...], w_ref[...], preferred_element_type=jnp.float32)
        h1_ref[...] = y * n_col

    return pl.pallas_call(
        body,
        out_shape=[
            jax.ShapeDtypeStruct((_NPAD, _D), jnp.float32),
            jax.ShapeDtypeStruct((_NPAD, 1), jnp.float32),
        ],
    )(parts, x, w)


def _mid(zp, n_col):
    def body(z_ref, n_ref, o_ref):
        n2 = n_ref[...] * n_ref[...]
        o_ref[...] = (z_ref[0] + z_ref[1]) * n2

    return pl.pallas_call(
        body, out_shape=jax.ShapeDtypeStruct((_NPAD, _D), jnp.float32)
    )(zp, n_col)


def _final(up, n_col, b2d):
    def body(u_ref, n_ref, b_ref, o_ref):
        u = (u_ref[0] + u_ref[1]) * n_ref[...]
        o_ref[...] = u[:_N, :] + b_ref[...]

    return pl.pallas_call(
        body, out_shape=jax.ShapeDtypeStruct((_N, _D), jnp.float32)
    )(up, n_col, b2d)


def kernel(features, edge_index, W, b):
    src = edge_index[0]
    dst = edge_index[1]
    e = src.shape[0]
    fill = _N + jnp.arange(_EPAD - e, dtype=jnp.int32) % (_NPAD - _N)
    src_pad = jnp.concatenate([src, fill])
    dst_pad = jnp.concatenate([dst, fill])
    src2d = src_pad.reshape(_NW * _CH, _B)
    dst2d = dst_pad.reshape(_NW * _CH, _B)
    dst2d_deg = dst_pad.reshape(_NW * _DCH, 128)
    x_pad = jnp.pad(features, ((0, _NPAD - _N), (0, 0)))

    parts = _deg_partials(dst2d_deg)
    h1, n_col = _prep(parts, x_pad, W)
    zp = _hop(h1, src2d, dst2d)
    h2 = _mid(zp, n_col)
    up = _hop(h2, src2d, dst2d)
    return _final(up, n_col, jnp.reshape(b, (1, _D)))

# --- scband reference (transcript-rebuilt; emitter-appended) ---
"""Pipeline reference for scband-sgc-51908974739650 (READ-ONLY COPY).

The authoritative reference and input builder live on the scoring server;
editing this copy changes nothing except your own understanding.
"""

import jax, jax.numpy as jnp
import numpy as np

N = 10000
E = 320000
D = 128
OUT = 128
K = 2  # nlayers -> SGConv k


def setup_inputs(seed: int = 0) -> dict:
    key = jax.random.key(seed)
    k1, k2, k3 = jax.random.split(key, 3)
    features = jax.random.normal(k1, (N, D), dtype=jnp.float32)
    edge_index = jax.random.randint(k2, (2, E), 0, N, dtype=jnp.int32)
    # Linear layer params of dgl SGConv (fc: in_size -> out_size, bias=True)
    W = jax.random.normal(k3, (D, OUT), dtype=jnp.float32) / np.sqrt(D)
    b = jnp.zeros((OUT,), dtype=jnp.float32)
    return {"features": features, "edge_index": edge_index, "W": W, "b": b}


def reference(features, edge_index, W, b):
    # SGC: h = (D^-1/2 A D^-1/2)^K X, then linear layer (dgl SGConv, norm='both')
    src = edge_index[0]
    dst = edge_index[1]
    deg = jnp.bincount(dst, length=N).astype(features.dtype)
    deg = jnp.clip(deg, 1.0, None)
    norm = deg ** (-0.5)
    h = features
    for _ in range(K):
        h = h * norm[:, None]
        # message passing: copy_u + sum reduce == scatter-add over dst
        h = jax.ops.segment_sum(h[src], dst, num_segments=N)
        h = h * norm[:, None]
    return h @ W + b

if __name__ == "__main__":
    import jax
    _d = setup_inputs()
    print(jax.jit(kernel)(*tuple(_d.values())))

</pallas_src>

<mosaic_0001>
#map = affine_map<(d0, d1) -> (0, 0)>
#map1 = affine_map<(d0, d1) -> (0, 0, 0)>
module attributes {stable_mosaic.version = 14 : i64} {
  func.func @k(%arg0: i32, %arg1: i32, %arg2: memref<10240x128xf32, #tpu.memory_space<hbm>>, %arg3: memref<2560x128xi32, #tpu.memory_space<hbm>>, %arg4: memref<2560x128xi32, #tpu.memory_space<hbm>>, %arg5: memref<2x10240x128xf32, #tpu.memory_space<hbm>>, %arg6: memref<40x128xi32, #tpu.memory_space<vmem>>, %arg7: memref<40x128xi32, #tpu.memory_space<vmem>>, %arg8: memref<128x128xf32, #tpu.memory_space<vmem>>, %arg9: memref<128x128xf32, #tpu.memory_space<vmem>>, %arg10: memref<10240x128xf32, #tpu.memory_space<vmem_shared>>, %arg11: memref<!tpu.dma_semaphore, #tpu.memory_space<semaphore_mem>>, %arg12: memref<!tpu.dma_semaphore, #tpu.memory_space<semaphore_mem>>) attributes {dimension_semantics = [#tpu.dimension_semantics<core_parallel>, #tpu.dimension_semantics<subcore_parallel>], iteration_bounds = array<i64: 2, 16>, scalar_prefetch = 0 : i64, scratch_operands = 7 : i64, tpu.core_type = #tpu.core_type<sc_vector_subcore>, window_params = [{transform_indices = #map}, {transform_indices = #map}, {transform_indices = #map}, {transform_indices = #map1}]} {
    %mul3A = arith.constant 16 : i32
    %mul3A_0 = arith.muli %arg0, %mul3A : i32
    %add3A = arith.addi %mul3A_0, %arg1 : i32
    %scan3A = arith.constant 0 : i32
    %scan3A_1 = arith.constant 128 : i32
    %scan3A_2 = arith.addi %scan3A, %scan3A_1 : i32
    %scan3A_3 = arith.constant 1 : i32
    scf.for %scan3A_20 = %scan3A to %scan3A_2 step %scan3A_3  : i32 {
      %mul3A_21 = arith.constant 1 : i32
      %mul3A_22 = arith.muli %scan3A_20, %mul3A_21 : i32
      %add3A_23 = arith.constant 0 : i32
      %add3A_24 = arith.addi %add3A_23, %mul3A_22 : i32
      %scan3A_25 = arith.constant 0 : i32
      %scan3A_26 = arith.constant 8 : i32
      %scan3A_27 = arith.addi %scan3A_25, %scan3A_26 : i32
      %scan3A_28 = arith.constant 1 : i32
      scf.for %scan3A_30 = %scan3A_25 to %scan3A_27 step %scan3A_28  : i32 {
        %mul3A_31 = arith.constant 16 : i32
        %mul3A_32 = arith.muli %scan3A_30, %mul3A_31 : i32
        %add3A_33 = arith.constant 0 : i32
        %add3A_34 = arith.addi %add3A_33, %mul3A_32 : i32
        %broadcast_in_dim3A = arith.constant 0.000000e+00 : f32
        %broadcast_in_dim3A_35 = vector.broadcast %broadcast_in_dim3A : f32 to vector<16xf32>
        %swap3A = arith.index_cast %add3A_24 : i32 to index
        %swap3A_36 = arith.index_cast %add3A_34 : i32 to index
        %swap3A_37 = tpu.vector_load %arg8[%swap3A, %swap3A_36] {strides = array<i32>} : memref<128x128xf32, #tpu.memory_space<vmem>>, vector<1x16xf32>,
        %swap3A_38 = vector.shape_cast %swap3A_37 : vector<1x16xf32> to vector<16xf32>
        %swap3A_39 = vector.shape_cast %broadcast_in_dim3A_35 : vector<16xf32> to vector<1x16xf32>
        tpu.vector_store %arg8[%swap3A, %swap3A_36], %swap3A_39 {strides = array<i32>} : memref<128x128xf32, #tpu.memory_space<vmem>>, vector<1x16xf32>,
      }
      %scan3A_29 = arith.constant 8 : i32
    }
    %scan3A_4 = arith.constant 128 : i32
    %scan3A_5 = arith.constant 0 : i32
    %scan3A_6 = arith.constant 5 : i32
    %scan3A_7 = arith.addi %scan3A_5, %scan3A_6 : i32
    %scan3A_8 = arith.constant 1 : i32
    scf.for %scan3A_20 = %scan3A_5 to %scan3A_7 step %scan3A_8  : i32 {
      %mul3A_21 = arith.constant 128 : i32
      %mul3A_22 = arith.muli %scan3A_20, %mul3A_21 : i32
      %add3A_23 = arith.constant 0 : i32
      %add3A_24 = arith.addi %add3A_23, %mul3A_22 : i32
      %mul3A_25 = arith.constant 640 : i32
      %mul3A_26 = arith.muli %arg1, %mul3A_25 : i32
      %add3A_27 = arith.addi %mul3A_26, %add3A_24 : i32
      "tpu.region"() ({
        %run_scoped3A = tpu.sem_alloc : memref<!tpu.dma_semaphore, #tpu.memory_space<semaphore_mem>>
        %dma_start3A = arith.constant 0 : i32
        %dma_start3A_28 = tpu.memref_slice %arg10[%add3A_27, %dma_start3A] : memref<10240x128xf32, #tpu.memory_space<vmem_shared>> -> memref<128x128xf32, #tpu.memory_space<vmem_shared>>
        %dma_start3A_29 = arith.constant 0 : i32
        %dma_start3A_30 = tpu.memref_slice %arg10[%add3A_27, %dma_start3A_29] : memref<10240x128xf32, #tpu.memory_space<vmem_shared>> -> memref<128x128xf32, #tpu.memory_space<vmem_shared>>
        tpu.enqueue_dma source(%arg8 : memref<128x128xf32, #tpu.memory_space<vmem>>) target(%dma_start3A_30 : memref<128x128xf32, #tpu.memory_space<vmem_shared>>) target_semaphore(%run_scoped3A : memref<!tpu.dma_semaphore, #tpu.memory_space<semaphore_mem>>)
        %dma_wait3A = arith.constant 0 : i32
        %dma_wait3A_31 = tpu.memref_slice %arg10[%add3A_27, %dma_wait3A] : memref<10240x128xf32, #tpu.memory_space<vmem_shared>> -> memref<128x128xf32, #tpu.memory_space<vmem_shared>>
        %dma_wait3A_32 = arith.constant 0 : i32
        %dma_wait3A_33 = tpu.memref_slice %arg10[%add3A_27, %dma_wait3A_32] : memref<10240x128xf32, #tpu.memory_space<vmem_shared>> -> memref<128x128xf32, #tpu.memory_space<vmem_shared>>
        tpu.wait_dma2 semaphore(%run_scoped3A : memref<!tpu.dma_semaphore, #tpu.memory_space<semaphore_mem>>) src(%arg8 : memref<128x128xf32, #tpu.memory_space<vmem>>) dst(%dma_wait3A_33 : memref<128x128xf32, #tpu.memory_space<vmem_shared>>)
        tpu.yield
      }) : () -> ()
    }
    %scan3A_9 = arith.constant 5 : i32
    %barrier3A = arith.constant 0 : index
    tpu.barrier barrier_id(%barrier3A)
    %scan3A_10 = arith.constant 0 : i32
    %scan3A_11 = arith.constant 2 : i32
    %scan3A_12 = arith.addi %scan3A_10, %scan3A_11 : i32
    %scan3A_13 = arith.constant 1 : i32
    scf.for %scan3A_20 = %scan3A_10 to %scan3A_12 step %scan3A_13  : i32 {
      %mul3A_21 = arith.constant 1 : i32
      %mul3A_22 = arith.muli %scan3A_20, %mul3A_21 : i32
      %add3A_23 = arith.constant 0 : i32
      %add3A_24 = arith.addi %add3A_23, %mul3A_22 : i32
      %mul3A_25 = arith.constant 80 : i32
      %mul3A_26 = arith.muli %add3A, %mul3A_25 : i32
      %mul3A_27 = arith.constant 40 : i32
      %mul3A_28 = arith.muli %add3A_24, %mul3A_27 : i32
      %add3A_29 = arith.addi %mul3A_26, %mul3A_28 : i32
      "tpu.region"() ({
        %run_scoped3A = tpu.sem_alloc : memref<!tpu.dma_semaphore, #tpu.memory_space<semaphore_mem>>
        %dma_start3A_41 = arith.constant 0 : i32
        %dma_start3A_42 = tpu.memref_slice %arg3[%add3A_29, %dma_start3A_41] : memref<2560x128xi32, #tpu.memory_space<hbm>> -> memref<40x128xi32, #tpu.memory_space<hbm>>
        %dma_start3A_43 = arith.constant 0 : i32
        %dma_start3A_44 = tpu.memref_slice %arg3[%add3A_29, %dma_start3A_43] : memref<2560x128xi32, #tpu.memory_space<hbm>> -> memref<40x128xi32, #tpu.memory_space<hbm>>
        tpu.enqueue_dma source(%dma_start3A_44 : memref<40x128xi32, #tpu.memory_space<hbm>>) target(%arg6 : memref<40x128xi32, #tpu.memory_space<vmem>>) target_semaphore(%run_scoped3A : memref<!tpu.dma_semaphore, #tpu.memory_space<semaphore_mem>>)
        %dma_wait3A = arith.constant 0 : i32
        %dma_wait3A_45 = tpu.memref_slice %arg3[%add3A_29, %dma_wait3A] : memref<2560x128xi32, #tpu.memory_space<hbm>> -> memref<40x128xi32, #tpu.memory_space<hbm>>
        %dma_wait3A_46 = arith.constant 0 : i32
        %dma_wait3A_47 = tpu.memref_slice %arg3[%add3A_29, %dma_wait3A_46] : memref<2560x128xi32, #tpu.memory_space<hbm>> -> memref<40x128xi32, #tpu.memory_space<hbm>>
        tpu.wait_dma2 semaphore(%run_scoped3A : memref<!tpu.dma_semaphore, #tpu.memory_space<semaphore_mem>>) src(%dma_wait3A_47 : memref<40x128xi32, #tpu.memory_space<hbm>>) dst(%arg6 : memref<40x128xi32, #tpu.memory_space<vmem>>)
        tpu.yield
      }) : () -> ()
      "tpu.region"() ({
        %run_scoped3A = tpu.sem_alloc : memref<!tpu.dma_semaphore, #tpu.memory_space<semaphore_mem>>
        %dma_start3A_41 = arith.constant 0 : i32
        %dma_start3A_42 = tpu.memref_slice %arg4[%add3A_29, %dma_start3A_41] : memref<2560x128xi32, #tpu.memory_space<hbm>> -> memref<40x128xi32, #tpu.memory_space<hbm>>
        %dma_start3A_43 = arith.constant 0 : i32
        %dma_start3A_44 = tpu.memref_slice %arg4[%add3A_29, %dma_start3A_43] : memref<2560x128xi32, #tpu.memory_space<hbm>> -> memref<40x128xi32, #tpu.memory_space<hbm>>
        tpu.enqueue_dma source(%dma_start3A_44 : memref<40x128xi32, #tpu.memory_space<hbm>>) target(%arg7 : memref<40x128xi32, #tpu.memory_space<vmem>>) target_semaphore(%run_scoped3A : memref<!tpu.dma_semaphore, #tpu.memory_space<semaphore_mem>>)
        %dma_wait3A = arith.constant 0 : i32
        %dma_wait3A_45 = tpu.memref_slice %arg4[%add3A_29, %dma_wait3A] : memref<2560x128xi32, #tpu.memory_space<hbm>> -> memref<40x128xi32, #tpu.memory_space<hbm>>
        %dma_wait3A_46 = arith.constant 0 : i32
        %dma_wait3A_47 = tpu.memref_slice %arg4[%add3A_29, %dma_wait3A_46] : memref<2560x128xi32, #tpu.memory_space<hbm>> -> memref<40x128xi32, #tpu.memory_space<hbm>>
        tpu.wait_dma2 semaphore(%run_scoped3A : memref<!tpu.dma_semaphore, #tpu.memory_space<semaphore_mem>>) src(%dma_wait3A_47 : memref<40x128xi32, #tpu.memory_space<hbm>>) dst(%arg7 : memref<40x128xi32, #tpu.memory_space<vmem>>)
        tpu.yield
      }) : () -> ()
      %dma_start3A = arith.constant 0 : i32
      %dma_start3A_30 = arith.constant 0 : i32
      %dma_start3A_31 = tpu.memref_slice %arg6[%dma_start3A, %dma_start3A_30] : memref<40x128xi32, #tpu.memory_space<vmem>> -> memref<1x128xi32, #tpu.memory_space<vmem>>
      %dma_start3A_32 = tpu.memref_squeeze %dma_start3A_31 : memref<1x128xi32, #tpu.memory_space<vmem>> -> memref<128xi32, #tpu.memory_space<vmem>>
      %dma_start3A_33 = arith.constant 0 : i32
      %dma_start3A_34 = arith.constant 0 : i32
      %dma_start3A_35 = tpu.memref_slice %arg2[%dma_start3A_33, %dma_start3A_34] : memref<10240x128xf32, #tpu.memory_space<hbm>> -> memref<10240x128xf32, #tpu.memory_space<hbm>>
      tpu.enqueue_indirect_dma source(%dma_start3A_35 : memref<10240x128xf32, #tpu.memory_space<hbm>>) target(%arg8 : memref<128x128xf32, #tpu.memory_space<vmem>>) offsets(%dma_start3A_32 : memref<128xi32, #tpu.memory_space<vmem>>) semaphore(%arg11 : memref<!tpu.dma_semaphore, #tpu.memory_space<semaphore_mem>>)
      %scan3A_36 = arith.constant 0 : i32
      %scan3A_37 = arith.constant 20 : i32
      %scan3A_38 = arith.addi %scan3A_36, %scan3A_37 : i32
      %scan3A_39 = arith.constant 1 : i32
      scf.for %scan3A_41 = %scan3A_36 to %scan3A_38 step %scan3A_39  : i32 {
        %mul3A_42 = arith.constant 2 : i32
        %mul3A_43 = arith.muli %scan3A_41, %mul3A_42 : i32
        %add3A_44 = arith.constant 0 : i32
        %add3A_45 = arith.addi %add3A_44, %mul3A_43 : i32
        %add3A_46 = arith.constant 1 : i32
        %add3A_47 = arith.addi %add3A_45, %add3A_46 : i32
        %dma_start3A_48 = arith.constant 0 : i32
        %dma_start3A_49 = tpu.memref_slice %arg6[%add3A_47, %dma_start3A_48] : memref<40x128xi32, #tpu.memory_space<vmem>> -> memref<1x128xi32, #tpu.memory_space<vmem>>
        %dma_start3A_50 = tpu.memref_squeeze %dma_start3A_49 : memref<1x128xi32, #tpu.memory_space<vmem>> -> memref<128xi32, #tpu.memory_space<vmem>>
        %dma_start3A_51 = arith.constant 0 : i32
        %dma_start3A_52 = arith.constant 0 : i32
        %dma_start3A_53 = tpu.memref_slice %arg2[%dma_start3A_51, %dma_start3A_52] : memref<10240x128xf32, #tpu.memory_space<hbm>> -> memref<10240x128xf32, #tpu.memory_space<hbm>>
        tpu.enqueue_indirect_dma source(%dma_start3A_53 : memref<10240x128xf32, #tpu.memory_space<hbm>>) target(%arg9 : memref<128x128xf32, #tpu.memory_space<vmem>>) offsets(%dma_start3A_50 : memref<128xi32, #tpu.memory_space<vmem>>) semaphore(%arg12 : memref<!tpu.dma_semaphore, #tpu.memory_space<semaphore_mem>>)
        %dma_wait3A = arith.constant 0 : i32
        %dma_wait3A_54 = arith.constant 0 : i32
        %dma_wait3A_55 = tpu.memref_slice %arg6[%dma_wait3A, %dma_wait3A_54] : memref<40x128xi32, #tpu.memory_space<vmem>> -> memref<1x128xi32, #tpu.memory_space<vmem>>
        %dma_wait3A_56 = tpu.memref_squeeze %dma_wait3A_55 : memref<1x128xi32, #tpu.memory_space<vmem>> -> memref<128xi32, #tpu.memory_space<vmem>>
        %dma_wait3A_57 = arith.constant 0 : i32
        %dma_wait3A_58 = arith.constant 0 : i32
        %dma_wait3A_59 = tpu.memref_slice %arg2[%dma_wait3A_57, %dma_wait3A_58] : memref<10240x128xf32, #tpu.memory_space<hbm>> -> memref<10240x128xf32, #tpu.memory_space<hbm>>
        tpu.wait_indirect_dma semaphore(%arg11 : memref<!tpu.dma_semaphore, #tpu.memory_space<semaphore_mem>>) src(%dma_wait3A_59 : memref<10240x128xf32, #tpu.memory_space<hbm>>) dst(%arg8 : memref<128x128xf32, #tpu.memory_space<vmem>>)
        "tpu.region"() ({
          %run_scoped3A = tpu.sem_alloc : memref<!tpu.dma_semaphore, #tpu.memory_space<semaphore_mem>>
          %dma_start3A_73 = arith.constant 0 : i32
          %dma_start3A_74 = tpu.memref_slice %arg7[%add3A_45, %dma_start3A_73] : memref<40x128xi32, #tpu.memory_space<vmem>> -> memref<1x128xi32, #tpu.memory_space<vmem>>
          %dma_start3A_75 = tpu.memref_squeeze %dma_start3A_74 : memref<1x128xi32, #tpu.memory_space<vmem>> -> memref<128xi32, #tpu.memory_space<vmem>>
          %dma_start3A_76 = arith.constant 0 : i32
          %dma_start3A_77 = arith.constant 0 : i32
          %dma_start3A_78 = tpu.memref_slice %arg10[%dma_start3A_76, %dma_start3A_77] : memref<10240x128xf32, #tpu.memory_space<vmem_shared>> -> memref<10240x128xf32, #tpu.memory_space<vmem_shared>>
          tpu.enqueue_indirect_dma source(%arg8 : memref<128x128xf32, #tpu.memory_space<vmem>>) target(%dma_start3A_78 : memref<10240x128xf32, #tpu.memory_space<vmem_shared>>) offsets(%dma_start3A_75 : memref<128xi32, #tpu.memory_space<vmem>>) semaphore(%run_scoped3A : memref<!tpu.dma_semaphore, #tpu.memory_space<semaphore_mem>>) {add = true}
          %dma_wait3A_79 = arith.constant 0 : i32
          %dma_wait3A_80 = tpu.memref_slice %arg7[%add3A_45, %dma_wait3A_79] : memref<40x128xi32, #tpu.memory_space<vmem>> -> memref<1x128xi32, #tpu.memory_space<vmem>>
          %dma_wait3A_81 = tpu.memref_squeeze %dma_wait3A_80 : memref<1x128xi32, #tpu.memory_space<vmem>> -> memref<128xi32, #tpu.memory_space<vmem>>
          %dma_wait3A_82 = arith.constant 0 : i32
          %dma_wait3A_83 = arith.constant 0 : i32
          %dma_wait3A_84 = tpu.memref_slice %arg10[%dma_wait3A_82, %dma_wait3A_83] : memref<10240x128xf32, #tpu.memory_space<vmem_shared>> -> memref<10240x128xf32, #tpu.memory_space<vmem_shared>>
          tpu.wait_indirect_dma semaphore(%run_scoped3A : memref<!tpu.dma_semaphore, #tpu.memory_space<semaphore_mem>>) src(%arg8 : memref<128x128xf32, #tpu.memory_space<vmem>>) dst(%dma_wait3A_84 : memref<10240x128xf32, #tpu.memory_space<vmem_shared>>)
          tpu.yield
        }) : () -> ()
        %add3A_60 = arith.constant 2 : i32
        %add3A_61 = arith.addi %add3A_45, %add3A_60 : i32
        %lt3A = arith.constant 40 : i32
        %lt3A_62 = arith.cmpi slt, %add3A_61, %lt3A : i32
        %convert_element_type3A = arith.extui %lt3A_62 : i1 to i32
        %cond3A = arith.constant 0 : i32
        %cond3A_63 = arith.cmpi ne, %convert_element_type3A, %cond3A : i32
        scf.if %cond3A_63 {
          %add3A_73 = arith.constant 2 : i32
          %add3A_74 = arith.addi %add3A_45, %add3A_73 : i32
          %dma_start3A_75 = arith.constant 0 : i32
          %dma_start3A_76 = tpu.memref_slice %arg6[%add3A_74, %dma_start3A_75] : memref<40x128xi32, #tpu.memory_space<vmem>> -> memref<1x128xi32, #tpu.memory_space<vmem>>
          %dma_start3A_77 = tpu.memref_squeeze %dma_start3A_76 : memref<1x128xi32, #tpu.memory_space<vmem>> -> memref<128xi32, #tpu.memory_space<vmem>>
          %dma_start3A_78 = arith.constant 0 : i32
          %dma_start3A_79 = arith.constant 0 : i32
          %dma_start3A_80 = tpu.memref_slice %arg2[%dma_start3A_78, %dma_start3A_79] : memref<10240x128xf32, #tpu.memory_space<hbm>> -> memref<10240x128xf32, #tpu.memory_space<hbm>>
          tpu.enqueue_indirect_dma source(%dma_start3A_80 : memref<10240x128xf32, #tpu.memory_space<hbm>>) target(%arg8 : memref<128x128xf32, #tpu.memory_space<vmem>>) offsets(%dma_start3A_77 : memref<128xi32, #tpu.memory_space<vmem>>) semaphore(%arg11 : memref<!tpu.dma_semaphore, #tpu.memory_space<semaphore_mem>>)
        } else {
        }
        %dma_wait3A_64 = arith.constant 0 : i32
        %dma_wait3A_65 = arith.constant 0 : i32
        %dma_wait3A_66 = tpu.memref_slice %arg6[%dma_wait3A_64, %dma_wait3A_65] : memref<40x128xi32, #tpu.memory_space<vmem>> -> memref<1x128xi32, #tpu.memory_space<vmem>>
        %dma_wait3A_67 = tpu.memref_squeeze %dma_wait3A_66 : memref<1x128xi32, #tpu.memory_space<vmem>> -> memref<128xi32, #tpu.memory_space<vmem>>
        %dma_wait3A_68 = arith.constant 0 : i32
        %dma_wait3A_69 = arith.constant 0 : i32
        %dma_wait3A_70 = tpu.memref_slice %arg2[%dma_wait3A_68, %dma_wait3A_69] : memref<10240x128xf32, #tpu.memory_space<hbm>> -> memref<10240x128xf32, #tpu.memory_space<hbm>>
        tpu.wait_indirect_dma semaphore(%arg12 : memref<!tpu.dma_semaphore, #tpu.memory_space<semaphore_mem>>) src(%dma_wait3A_70 : memref<10240x128xf32, #tpu.memory_space<hbm>>) dst(%arg9 : memref<128x128xf32, #tpu.memory_space<vmem>>)
        %add3A_71 = arith.constant 1 : i32
        %add3A_72 = arith.addi %add3A_45, %add3A_71 : i32
        "tpu.region"() ({
          %run_scoped3A = tpu.sem_alloc : memref<!tpu.dma_semaphore, #tpu.memory_space<semaphore_mem>>
          %dma_start3A_73 = arith.constant 0 : i32
          %dma_start3A_74 = tpu.memref_slice %arg7[%add3A_72, %dma_start3A_73] : memref<40x128xi32, #tpu.memory_space<vmem>> -> memref<1x128xi32, #tpu.memory_space<vmem>>
          %dma_start3A_75 = tpu.memref_squeeze %dma_start3A_74 : memref<1x128xi32, #tpu.memory_space<vmem>> -> memref<128xi32, #tpu.memory_space<vmem>>
          %dma_start3A_76 = arith.constant 0 : i32
          %dma_start3A_77 = arith.constant 0 : i32
          %dma_start3A_78 = tpu.memref_slice %arg10[%dma_start3A_76, %dma_start3A_77] : memref<10240x128xf32, #tpu.memory_space<vmem_shared>> -> memref<10240x128xf32, #tpu.memory_space<vmem_shared>>
          tpu.enqueue_indirect_dma source(%arg9 : memref<128x128xf32, #tpu.memory_space<vmem>>) target(%dma_start3A_78 : memref<10240x128xf32, #tpu.memory_space<vmem_shared>>) offsets(%dma_start3A_75 : memref<128xi32, #tpu.memory_space<vmem>>) semaphore(%run_scoped3A : memref<!tpu.dma_semaphore, #tpu.memory_space<semaphore_mem>>) {add = true}
          %dma_wait3A_79 = arith.constant 0 : i32
          %dma_wait3A_80 = tpu.memref_slice %arg7[%add3A_72, %dma_wait3A_79] : memref<40x128xi32, #tpu.memory_space<vmem>> -> memref<1x128xi32, #tpu.memory_space<vmem>>
          %dma_wait3A_81 = tpu.memref_squeeze %dma_wait3A_80 : memref<1x128xi32, #tpu.memory_space<vmem>> -> memref<128xi32, #tpu.memory_space<vmem>>
          %dma_wait3A_82 = arith.constant 0 : i32
          %dma_wait3A_83 = arith.constant 0 : i32
          %dma_wait3A_84 = tpu.memref_slice %arg10[%dma_wait3A_82, %dma_wait3A_83] : memref<10240x128xf32, #tpu.memory_space<vmem_shared>> -> memref<10240x128xf32, #tpu.memory_space<vmem_shared>>
          tpu.wait_indirect_dma semaphore(%run_scoped3A : memref<!tpu.dma_semaphore, #tpu.memory_space<semaphore_mem>>) src(%arg9 : memref<128x128xf32, #tpu.memory_space<vmem>>) dst(%dma_wait3A_84 : memref<10240x128xf32, #tpu.memory_space<vmem_shared>>)
          tpu.yield
        }) : () -> ()
      }
      %scan3A_40 = arith.constant 20 : i32
    }
    %scan3A_14 = arith.constant 2 : i32
    %barrier3A_15 = arith.constant 0 : index
    tpu.barrier barrier_id(%barrier3A_15)
    %mul3A_16 = arith.constant 640 : i32
    %mul3A_17 = arith.muli %arg1, %mul3A_16 : i32
    %mul3A_18 = arith.constant 640 : i32
    %mul3A_19 = arith.muli %arg1, %mul3A_18 : i32
    "tpu.region"() ({
      %run_scoped3A = tpu.sem_alloc : memref<!tpu.dma_semaphore, #tpu.memory_space<semaphore_mem>>
      %dma_start3A = arith.constant 0 : i32
      %dma_start3A_20 = arith.constant 0 : i32
      %dma_start3A_21 = tpu.memref_slice %arg5[%arg0, %dma_start3A, %dma_start3A_20] : memref<2x10240x128xf32, #tpu.memory_space<hbm>> -> memref<1x10240x128xf32, #tpu.memory_space<hbm>>
      %dma_start3A_22 = tpu.memref_squeeze %dma_start3A_21 : memref<1x10240x128xf32, #tpu.memory_space<hbm>> -> memref<10240x128xf32, #tpu.memory_space<hbm>>
      %dma_start3A_23 = arith.constant 0 : i32
      %dma_start3A_24 = tpu.memref_slice %dma_start3A_22[%mul3A_19, %dma_start3A_23] : memref<10240x128xf32, #tpu.memory_space<hbm>> -> memref<640x128xf32, #tpu.memory_space<hbm>>
      %dma_start3A_25 = arith.constant 0 : i32
      %dma_start3A_26 = tpu.memref_slice %arg10[%mul3A_17, %dma_start3A_25] : memref<10240x128xf32, #tpu.memory_space<vmem_shared>> -> memref<640x128xf32, #tpu.memory_space<vmem_shared>>
      tpu.enqueue_dma source(%dma_start3A_26 : memref<640x128xf32, #tpu.memory_space<vmem_shared>>) target(%dma_start3A_24 : memref<640x128xf32, #tpu.memory_space<hbm>>) target_semaphore(%run_scoped3A : memref<!tpu.dma_semaphore, #tpu.memory_space<semaphore_mem>>)
      %dma_wait3A = arith.constant 0 : i32
      %dma_wait3A_27 = arith.constant 0 : i32
      %dma_wait3A_28 = tpu.memref_slice %arg5[%arg0, %dma_wait3A, %dma_wait3A_27] : memref<2x10240x128xf32, #tpu.memory_space<hbm>> -> memref<1x10240x128xf32, #tpu.memory_space<hbm>>
      %dma_wait3A_29 = tpu.memref_squeeze %dma_wait3A_28 : memref<1x10240x128xf32, #tpu.memory_space<hbm>> -> memref<10240x128xf32, #tpu.memory_space<hbm>>
      %dma_wait3A_30 = arith.constant 0 : i32
      %dma_wait3A_31 = tpu.memref_slice %dma_wait3A_29[%mul3A_19, %dma_wait3A_30] : memref<10240x128xf32, #tpu.memory_space<hbm>> -> memref<640x128xf32, #tpu.memory_space<hbm>>
      %dma_wait3A_32 = arith.constant 0 : i32
      %dma_wait3A_33 = tpu.memref_slice %arg10[%mul3A_17, %dma_wait3A_32] : memref<10240x128xf32, #tpu.memory_space<vmem_shared>> -> memref<640x128xf32, #tpu.memory_space<vmem_shared>>
      tpu.wait_dma2 semaphore(%run_scoped3A : memref<!tpu.dma_semaphore, #tpu.memory_space<semaphore_mem>>) src(%dma_wait3A_33 : memref<640x128xf32, #tpu.memory_space<vmem_shared>>) dst(%dma_wait3A_31 : memref<640x128xf32, #tpu.memory_space<hbm>>)
      tpu.yield
    }) : () -> ()
    return
  }
}

#map = affine_map<(d0, d1) -> (0, 0)>
#map1 = affine_map<(d0, d1) -> (0, 0, 0)>
module attributes {stable_mosaic.version = 14 : i64} {
  func.func @k(%arg0: i32, %arg1: i32, %arg2: memref<10240x128xf32, #tpu.memory_space<hbm>>, %arg3: memref<2560x128xi32, #tpu.memory_space<hbm>>, %arg4: memref<2560x128xi32, #tpu.memory_space<hbm>>, %arg5: memref<2x10240x128xf32, #tpu.memory_space<hbm>>, %arg6: memref<40x128xi32, #tpu.memory_space<vmem>>, %arg7: memref<40x128xi32, #tpu.memory_space<vmem>>, %arg8: memref<128x128xf32, #tpu.memory_space<vmem>>, %arg9: memref<128x128xf32, #tpu.memory_space<vmem>>, %arg10: memref<10240x128xf32, #tpu.memory_space<vmem_shared>>, %arg11: memref<!tpu.dma_semaphore, #tpu.memory_space<semaphore_mem>>, %arg12: memref<!tpu.dma_semaphore, #tpu.memory_space<semaphore_mem>>) attributes {dimension_semantics = [#tpu.dimension_semantics<core_parallel>, #tpu.dimension_semantics<subcore_parallel>], iteration_bounds = array<i64: 2, 16>, scalar_prefetch = 0 : i64, scratch_operands = 7 : i64, tpu.core_type = #tpu.core_type<sc_vector_subcore>, window_params = [{transform_indices = #map}, {transform_indices = #map}, {transform_indices = #map}, {transform_indices = #map1}]} {
    %mul3A = arith.constant 16 : i32
    %mul3A_0 = arith.muli %arg0, %mul3A : i32
    %add3A = arith.addi %mul3A_0, %arg1 : i32
    %scan3A = arith.constant 0 : i32
    %scan3A_1 = arith.constant 128 : i32
    %scan3A_2 = arith.addi %scan3A, %scan3A_1 : i32
    %scan3A_3 = arith.constant 1 : i32
    scf.for %scan3A_20 = %scan3A to %scan3A_2 step %scan3A_3  : i32 {
      %mul3A_21 = arith.constant 1 : i32
      %mul3A_22 = arith.muli %scan3A_20, %mul3A_21 : i32
      %add3A_23 = arith.constant 0 : i32
      %add3A_24 = arith.addi %add3A_23, %mul3A_22 : i32
      %scan3A_25 = arith.constant 0 : i32
      %scan3A_26 = arith.constant 8 : i32
      %scan3A_27 = arith.addi %scan3A_25, %scan3A_26 : i32
      %scan3A_28 = arith.constant 1 : i32
      scf.for %scan3A_30 = %scan3A_25 to %scan3A_27 step %scan3A_28  : i32 {
        %mul3A_31 = arith.constant 16 : i32
        %mul3A_32 = arith.muli %scan3A_30, %mul3A_31 : i32
        %add3A_33 = arith.constant 0 : i32
        %add3A_34 = arith.addi %add3A_33, %mul3A_32 : i32
        %broadcast_in_dim3A = arith.constant 0.000000e+00 : f32
        %broadcast_in_dim3A_35 = vector.broadcast %broadcast_in_dim3A : f32 to vector<16xf32>
        %swap3A = arith.index_cast %add3A_24 : i32 to index
        %swap3A_36 = arith.index_cast %add3A_34 : i32 to index
        %swap3A_37 = tpu.vector_load %arg8[%swap3A, %swap3A_36] {strides = array<i32>} : memref<128x128xf32, #tpu.memory_space<vmem>>, vector<1x16xf32>,
        %swap3A_38 = vector.shape_cast %swap3A_37 : vector<1x16xf32> to vector<16xf32>
        %swap3A_39 = vector.shape_cast %broadcast_in_dim3A_35 : vector<16xf32> to vector<1x16xf32>
        tpu.vector_store %arg8[%swap3A, %swap3A_36], %swap3A_39 {strides = array<i32>} : memref<128x128xf32, #tpu.memory_space<vmem>>, vector<1x16xf32>,
      }
      %scan3A_29 = arith.constant 8 : i32
    }
    %scan3A_4 = arith.constant 128 : i32
    %scan3A_5 = arith.constant 0 : i32
    %scan3A_6 = arith.constant 5 : i32
    %scan3A_7 = arith.addi %scan3A_5, %scan3A_6 : i32
    %scan3A_8 = arith.constant 1 : i32
    scf.for %scan3A_20 = %scan3A_5 to %scan3A_7 step %scan3A_8  : i32 {
      %mul3A_21 = arith.constant 128 : i32
      %mul3A_22 = arith.muli %scan3A_20, %mul3A_21 : i32
      %add3A_23 = arith.constant 0 : i32
      %add3A_24 = arith.addi %add3A_23, %mul3A_22 : i32
      %mul3A_25 = arith.constant 640 : i32
      %mul3A_26 = arith.muli %arg1, %mul3A_25 : i32
      %add3A_27 = arith.addi %mul3A_26, %add3A_24 : i32
      "tpu.region"() ({
        %run_scoped3A = tpu.sem_alloc : memref<!tpu.dma_semaphore, #tpu.memory_space<semaphore_mem>>
        %dma_start3A = arith.constant 0 : i32
        %dma_start3A_28 = tpu.memref_slice %arg10[%add3A_27, %dma_start3A] : memref<10240x128xf32, #tpu.memory_space<vmem_shared>> -> memref<128x128xf32, #tpu.memory_space<vmem_shared>>
        %dma_start3A_29 = arith.constant 0 : i32
        %dma_start3A_30 = tpu.memref_slice %arg10[%add3A_27, %dma_start3A_29] : memref<10240x128xf32, #tpu.memory_space<vmem_shared>> -> memref<128x128xf32, #tpu.memory_space<vmem_shared>>
        tpu.enqueue_dma source(%arg8 : memref<128x128xf32, #tpu.memory_space<vmem>>) target(%dma_start3A_30 : memref<128x128xf32, #tpu.memory_space<vmem_shared>>) target_semaphore(%run_scoped3A : memref<!tpu.dma_semaphore, #tpu.memory_space<semaphore_mem>>)
        %dma_wait3A = arith.constant 0 : i32
        %dma_wait3A_31 = tpu.memref_slice %arg10[%add3A_27, %dma_wait3A] : memref<10240x128xf32, #tpu.memory_space<vmem_shared>> -> memref<128x128xf32, #tpu.memory_space<vmem_shared>>
        %dma_wait3A_32 = arith.constant 0 : i32
        %dma_wait3A_33 = tpu.memref_slice %arg10[%add3A_27, %dma_wait3A_32] : memref<10240x128xf32, #tpu.memory_space<vmem_shared>> -> memref<128x128xf32, #tpu.memory_space<vmem_shared>>
        tpu.wait_dma2 semaphore(%run_scoped3A : memref<!tpu.dma_semaphore, #tpu.memory_space<semaphore_mem>>) src(%arg8 : memref<128x128xf32, #tpu.memory_space<vmem>>) dst(%dma_wait3A_33 : memref<128x128xf32, #tpu.memory_space<vmem_shared>>)
        tpu.yield
      }) : () -> ()
    }
    %scan3A_9 = arith.constant 5 : i32
    %barrier3A = arith.constant 0 : index
    tpu.barrier barrier_id(%barrier3A)
    %scan3A_10 = arith.constant 0 : i32
    %scan3A_11 = arith.constant 2 : i32
    %scan3A_12 = arith.addi %scan3A_10, %scan3A_11 : i32
    %scan3A_13 = arith.constant 1 : i32
    scf.for %scan3A_20 = %scan3A_10 to %scan3A_12 step %scan3A_13  : i32 {
      %mul3A_21 = arith.constant 1 : i32
      %mul3A_22 = arith.muli %scan3A_20, %mul3A_21 : i32
      %add3A_23 = arith.constant 0 : i32
      %add3A_24 = arith.addi %add3A_23, %mul3A_22 : i32
      %mul3A_25 = arith.constant 80 : i32
      %mul3A_26 = arith.muli %add3A, %mul3A_25 : i32
      %mul3A_27 = arith.constant 40 : i32
      %mul3A_28 = arith.muli %add3A_24, %mul3A_27 : i32
      %add3A_29 = arith.addi %mul3A_26, %mul3A_28 : i32
      "tpu.region"() ({
        %run_scoped3A = tpu.sem_alloc : memref<!tpu.dma_semaphore, #tpu.memory_space<semaphore_mem>>
        %dma_start3A_41 = arith.constant 0 : i32
        %dma_start3A_42 = tpu.memref_slice %arg3[%add3A_29, %dma_start3A_41] : memref<2560x128xi32, #tpu.memory_space<hbm>> -> memref<40x128xi32, #tpu.memory_space<hbm>>
        %dma_start3A_43 = arith.constant 0 : i32
        %dma_start3A_44 = tpu.memref_slice %arg3[%add3A_29, %dma_start3A_43] : memref<2560x128xi32, #tpu.memory_space<hbm>> -> memref<40x128xi32, #tpu.memory_space<hbm>>
        tpu.enqueue_dma source(%dma_start3A_44 : memref<40x128xi32, #tpu.memory_space<hbm>>) target(%arg6 : memref<40x128xi32, #tpu.memory_space<vmem>>) target_semaphore(%run_scoped3A : memref<!tpu.dma_semaphore, #tpu.memory_space<semaphore_mem>>)
        %dma_wait3A = arith.constant 0 : i32
        %dma_wait3A_45 = tpu.memref_slice %arg3[%add3A_29, %dma_wait3A] : memref<2560x128xi32, #tpu.memory_space<hbm>> -> memref<40x128xi32, #tpu.memory_space<hbm>>
        %dma_wait3A_46 = arith.constant 0 : i32
        %dma_wait3A_47 = tpu.memref_slice %arg3[%add3A_29, %dma_wait3A_46] : memref<2560x128xi32, #tpu.memory_space<hbm>> -> memref<40x128xi32, #tpu.memory_space<hbm>>
        tpu.wait_dma2 semaphore(%run_scoped3A : memref<!tpu.dma_semaphore, #tpu.memory_space<semaphore_mem>>) src(%dma_wait3A_47 : memref<40x128xi32, #tpu.memory_space<hbm>>) dst(%arg6 : memref<40x128xi32, #tpu.memory_space<vmem>>)
        tpu.yield
      }) : () -> ()
      "tpu.region"() ({
        %run_scoped3A = tpu.sem_alloc : memref<!tpu.dma_semaphore, #tpu.memory_space<semaphore_mem>>
        %dma_start3A_41 = arith.constant 0 : i32
        %dma_start3A_42 = tpu.memref_slice %arg4[%add3A_29, %dma_start3A_41] : memref<2560x128xi32, #tpu.memory_space<hbm>> -> memref<40x128xi32, #tpu.memory_space<hbm>>
        %dma_start3A_43 = arith.constant 0 : i32
        %dma_start3A_44 = tpu.memref_slice %arg4[%add3A_29, %dma_start3A_43] : memref<2560x128xi32, #tpu.memory_space<hbm>> -> memref<40x128xi32, #tpu.memory_space<hbm>>
        tpu.enqueue_dma source(%dma_start3A_44 : memref<40x128xi32, #tpu.memory_space<hbm>>) target(%arg7 : memref<40x128xi32, #tpu.memory_space<vmem>>) target_semaphore(%run_scoped3A : memref<!tpu.dma_semaphore, #tpu.memory_space<semaphore_mem>>)
        %dma_wait3A = arith.constant 0 : i32
        %dma_wait3A_45 = tpu.memref_slice %arg4[%add3A_29, %dma_wait3A] : memref<2560x128xi32, #tpu.memory_space<hbm>> -> memref<40x128xi32, #tpu.memory_space<hbm>>
        %dma_wait3A_46 = arith.constant 0 : i32
        %dma_wait3A_47 = tpu.memref_slice %arg4[%add3A_29, %dma_wait3A_46] : memref<2560x128xi32, #tpu.memory_space<hbm>> -> memref<40x128xi32, #tpu.memory_space<hbm>>
        tpu.wait_dma2 semaphore(%run_scoped3A : memref<!tpu.dma_semaphore, #tpu.memory_space<semaphore_mem>>) src(%dma_wait3A_47 : memref<40x128xi32, #tpu.memory_space<hbm>>) dst(%arg7 : memref<40x128xi32, #tpu.memory_space<vmem>>)
        tpu.yield
      }) : () -> ()
      %dma_start3A = arith.constant 0 : i32
      %dma_start3A_30 = arith.constant 0 : i32
      %dma_start3A_31 = tpu.memref_slice %arg6[%dma_start3A, %dma_start3A_30] : memref<40x128xi32, #tpu.memory_space<vmem>> -> memref<1x128xi32, #tpu.memory_space<vmem>>
      %dma_start3A_32 = tpu.memref_squeeze %dma_start3A_31 : memref<1x128xi32, #tpu.memory_space<vmem>> -> memref<128xi32, #tpu.memory_space<vmem>>
      %dma_start3A_33 = arith.constant 0 : i32
      %dma_start3A_34 = arith.constant 0 : i32
      %dma_start3A_35 = tpu.memref_slice %arg2[%dma_start3A_33, %dma_start3A_34] : memref<10240x128xf32, #tpu.memory_space<hbm>> -> memref<10240x128xf32, #tpu.memory_space<hbm>>
      tpu.enqueue_indirect_dma source(%dma_start3A_35 : memref<10240x128xf32, #tpu.memory_space<hbm>>) target(%arg8 : memref<128x128xf32, #tpu.memory_space<vmem>>) offsets(%dma_start3A_32 : memref<128xi32, #tpu.memory_space<vmem>>) semaphore(%arg11 : memref<!tpu.dma_semaphore, #tpu.memory_space<semaphore_mem>>)
      %scan3A_36 = arith.constant 0 : i32
      %scan3A_37 = arith.constant 20 : i32
      %scan3A_38 = arith.addi %scan3A_36, %scan3A_37 : i32
      %scan3A_39 = arith.constant 1 : i32
      scf.for %scan3A_41 = %scan3A_36 to %scan3A_38 step %scan3A_39  : i32 {
        %mul3A_42 = arith.constant 2 : i32
        %mul3A_43 = arith.muli %scan3A_41, %mul3A_42 : i32
        %add3A_44 = arith.constant 0 : i32
        %add3A_45 = arith.addi %add3A_44, %mul3A_43 : i32
        %add3A_46 = arith.constant 1 : i32
        %add3A_47 = arith.addi %add3A_45, %add3A_46 : i32
        %dma_start3A_48 = arith.constant 0 : i32
        %dma_start3A_49 = tpu.memref_slice %arg6[%add3A_47, %dma_start3A_48] : memref<40x128xi32, #tpu.memory_space<vmem>> -> memref<1x128xi32, #tpu.memory_space<vmem>>
        %dma_start3A_50 = tpu.memref_squeeze %dma_start3A_49 : memref<1x128xi32, #tpu.memory_space<vmem>> -> memref<128xi32, #tpu.memory_space<vmem>>
        %dma_start3A_51 = arith.constant 0 : i32
        %dma_start3A_52 = arith.constant 0 : i32
        %dma_start3A_53 = tpu.memref_slice %arg2[%dma_start3A_51, %dma_start3A_52] : memref<10240x128xf32, #tpu.memory_space<hbm>> -> memref<10240x128xf32, #tpu.memory_space<hbm>>
        tpu.enqueue_indirect_dma source(%dma_start3A_53 : memref<10240x128xf32, #tpu.memory_space<hbm>>) target(%arg9 : memref<128x128xf32, #tpu.memory_space<vmem>>) offsets(%dma_start3A_50 : memref<128xi32, #tpu.memory_space<vmem>>) semaphore(%arg12 : memref<!tpu.dma_semaphore, #tpu.memory_space<semaphore_mem>>)
        %dma_wait3A = arith.constant 0 : i32
        %dma_wait3A_54 = arith.constant 0 : i32
        %dma_wait3A_55 = tpu.memref_slice %arg6[%dma_wait3A, %dma_wait3A_54] : memref<40x128xi32, #tpu.memory_space<vmem>> -> memref<1x128xi32, #tpu.memory_space<vmem>>
        %dma_wait3A_56 = tpu.memref_squeeze %dma_wait3A_55 : memref<1x128xi32, #tpu.memory_space<vmem>> -> memref<128xi32, #tpu.memory_space<vmem>>
        %dma_wait3A_57 = arith.constant 0 : i32
        %dma_wait3A_58 = arith.constant 0 : i32
        %dma_wait3A_59 = tpu.memref_slice %arg2[%dma_wait3A_57, %dma_wait3A_58] : memref<10240x128xf32, #tpu.memory_space<hbm>> -> memref<10240x128xf32, #tpu.memory_space<hbm>>
        tpu.wait_indirect_dma semaphore(%arg11 : memref<!tpu.dma_semaphore, #tpu.memory_space<semaphore_mem>>) src(%dma_wait3A_59 : memref<10240x128xf32, #tpu.memory_space<hbm>>) dst(%arg8 : memref<128x128xf32, #tpu.memory_space<vmem>>)
        "tpu.region"() ({
          %run_scoped3A = tpu.sem_alloc : memref<!tpu.dma_semaphore, #tpu.memory_space<semaphore_mem>>
          %dma_start3A_73 = arith.constant 0 : i32
          %dma_start3A_74 = tpu.memref_slice %arg7[%add3A_45, %dma_start3A_73] : memref<40x128xi32, #tpu.memory_space<vmem>> -> memref<1x128xi32, #tpu.memory_space<vmem>>
          %dma_start3A_75 = tpu.memref_squeeze %dma_start3A_74 : memref<1x128xi32, #tpu.memory_space<vmem>> -> memref<128xi32, #tpu.memory_space<vmem>>
          %dma_start3A_76 = arith.constant 0 : i32
          %dma_start3A_77 = arith.constant 0 : i32
          %dma_start3A_78 = tpu.memref_slice %arg10[%dma_start3A_76, %dma_start3A_77] : memref<10240x128xf32, #tpu.memory_space<vmem_shared>> -> memref<10240x128xf32, #tpu.memory_space<vmem_shared>>
          tpu.enqueue_indirect_dma source(%arg8 : memref<128x128xf32, #tpu.memory_space<vmem>>) target(%dma_start3A_78 : memref<10240x128xf32, #tpu.memory_space<vmem_shared>>) offsets(%dma_start3A_75 : memref<128xi32, #tpu.memory_space<vmem>>) semaphore(%run_scoped3A : memref<!tpu.dma_semaphore, #tpu.memory_space<semaphore_mem>>) {add = true}
          %dma_wait3A_79 = arith.constant 0 : i32
          %dma_wait3A_80 = tpu.memref_slice %arg7[%add3A_45, %dma_wait3A_79] : memref<40x128xi32, #tpu.memory_space<vmem>> -> memref<1x128xi32, #tpu.memory_space<vmem>>
          %dma_wait3A_81 = tpu.memref_squeeze %dma_wait3A_80 : memref<1x128xi32, #tpu.memory_space<vmem>> -> memref<128xi32, #tpu.memory_space<vmem>>
          %dma_wait3A_82 = arith.constant 0 : i32
          %dma_wait3A_83 = arith.constant 0 : i32
          %dma_wait3A_84 = tpu.memref_slice %arg10[%dma_wait3A_82, %dma_wait3A_83] : memref<10240x128xf32, #tpu.memory_space<vmem_shared>> -> memref<10240x128xf32, #tpu.memory_space<vmem_shared>>
          tpu.wait_indirect_dma semaphore(%run_scoped3A : memref<!tpu.dma_semaphore, #tpu.memory_space<semaphore_mem>>) src(%arg8 : memref<128x128xf32, #tpu.memory_space<vmem>>) dst(%dma_wait3A_84 : memref<10240x128xf32, #tpu.memory_space<vmem_shared>>)
          tpu.yield
        }) : () -> ()
        %add3A_60 = arith.constant 2 : i32
        %add3A_61 = arith.addi %add3A_45, %add3A_60 : i32
        %lt3A = arith.constant 40 : i32
        %lt3A_62 = arith.cmpi slt, %add3A_61, %lt3A : i32
        %convert_element_type3A = arith.extui %lt3A_62 : i1 to i32
        %cond3A = arith.constant 0 : i32
        %cond3A_63 = arith.cmpi ne, %convert_element_type3A, %cond3A : i32
        scf.if %cond3A_63 {
          %add3A_73 = arith.constant 2 : i32
          %add3A_74 = arith.addi %add3A_45, %add3A_73 : i32
          %dma_start3A_75 = arith.constant 0 : i32
          %dma_start3A_76 = tpu.memref_slice %arg6[%add3A_74, %dma_start3A_75] : memref<40x128xi32, #tpu.memory_space<vmem>> -> memref<1x128xi32, #tpu.memory_space<vmem>>
          %dma_start3A_77 = tpu.memref_squeeze %dma_start3A_76 : memref<1x128xi32, #tpu.memory_space<vmem>> -> memref<128xi32, #tpu.memory_space<vmem>>
          %dma_start3A_78 = arith.constant 0 : i32
          %dma_start3A_79 = arith.constant 0 : i32
          %dma_start3A_80 = tpu.memref_slice %arg2[%dma_start3A_78, %dma_start3A_79] : memref<10240x128xf32, #tpu.memory_space<hbm>> -> memref<10240x128xf32, #tpu.memory_space<hbm>>
          tpu.enqueue_indirect_dma source(%dma_start3A_80 : memref<10240x128xf32, #tpu.memory_space<hbm>>) target(%arg8 : memref<128x128xf32, #tpu.memory_space<vmem>>) offsets(%dma_start3A_77 : memref<128xi32, #tpu.memory_space<vmem>>) semaphore(%arg11 : memref<!tpu.dma_semaphore, #tpu.memory_space<semaphore_mem>>)
        } else {
        }
        %dma_wait3A_64 = arith.constant 0 : i32
        %dma_wait3A_65 = arith.constant 0 : i32
        %dma_wait3A_66 = tpu.memref_slice %arg6[%dma_wait3A_64, %dma_wait3A_65] : memref<40x128xi32, #tpu.memory_space<vmem>> -> memref<1x128xi32, #tpu.memory_space<vmem>>
        %dma_wait3A_67 = tpu.memref_squeeze %dma_wait3A_66 : memref<1x128xi32, #tpu.memory_space<vmem>> -> memref<128xi32, #tpu.memory_space<vmem>>
        %dma_wait3A_68 = arith.constant 0 : i32
        %dma_wait3A_69 = arith.constant 0 : i32
        %dma_wait3A_70 = tpu.memref_slice %arg2[%dma_wait3A_68, %dma_wait3A_69] : memref<10240x128xf32, #tpu.memory_space<hbm>> -> memref<10240x128xf32, #tpu.memory_space<hbm>>
        tpu.wait_indirect_dma semaphore(%arg12 : memref<!tpu.dma_semaphore, #tpu.memory_space<semaphore_mem>>) src(%dma_wait3A_70 : memref<10240x128xf32, #tpu.memory_space<hbm>>) dst(%arg9 : memref<128x128xf32, #tpu.memory_space<vmem>>)
        %add3A_71 = arith.constant 1 : i32
        %add3A_72 = arith.addi %add3A_45, %add3A_71 : i32
        "tpu.region"() ({
          %run_scoped3A = tpu.sem_alloc : memref<!tpu.dma_semaphore, #tpu.memory_space<semaphore_mem>>
          %dma_start3A_73 = arith.constant 0 : i32
          %dma_start3A_74 = tpu.memref_slice %arg7[%add3A_72, %dma_start3A_73] : memref<40x128xi32, #tpu.memory_space<vmem>> -> memref<1x128xi32, #tpu.memory_space<vmem>>
          %dma_start3A_75 = tpu.memref_squeeze %dma_start3A_74 : memref<1x128xi32, #tpu.memory_space<vmem>> -> memref<128xi32, #tpu.memory_space<vmem>>
          %dma_start3A_76 = arith.constant 0 : i32
          %dma_start3A_77 = arith.constant 0 : i32
          %dma_start3A_78 = tpu.memref_slice %arg10[%dma_start3A_76, %dma_start3A_77] : memref<10240x128xf32, #tpu.memory_space<vmem_shared>> -> memref<10240x128xf32, #tpu.memory_space<vmem_shared>>
          tpu.enqueue_indirect_dma source(%arg9 : memref<128x128xf32, #tpu.memory_space<vmem>>) target(%dma_start3A_78 : memref<10240x128xf32, #tpu.memory_space<vmem_shared>>) offsets(%dma_start3A_75 : memref<128xi32, #tpu.memory_space<vmem>>) semaphore(%run_scoped3A : memref<!tpu.dma_semaphore, #tpu.memory_space<semaphore_mem>>) {add = true}
          %dma_wait3A_79 = arith.constant 0 : i32
          %dma_wait3A_80 = tpu.memref_slice %arg7[%add3A_72, %dma_wait3A_79] : memref<40x128xi32, #tpu.memory_space<vmem>> -> memref<1x128xi32, #tpu.memory_space<vmem>>
          %dma_wait3A_81 = tpu.memref_squeeze %dma_wait3A_80 : memref<1x128xi32, #tpu.memory_space<vmem>> -> memref<128xi32, #tpu.memory_space<vmem>>
          %dma_wait3A_82 = arith.constant 0 : i32
          %dma_wait3A_83 = arith.constant 0 : i32
          %dma_wait3A_84 = tpu.memref_slice %arg10[%dma_wait3A_82, %dma_wait3A_83] : memref<10240x128xf32, #tpu.memory_space<vmem_shared>> -> memref<10240x128xf32, #tpu.memory_space<vmem_shared>>
          tpu.wait_indirect_dma semaphore(%run_scoped3A : memref<!tpu.dma_semaphore, #tpu.memory_space<semaphore_mem>>) src(%arg9 : memref<128x128xf32, #tpu.memory_space<vmem>>) dst(%dma_wait3A_84 : memref<10240x128xf32, #tpu.memory_space<vmem_shared>>)
          tpu.yield
        }) : () -> ()
      }
      %scan3A_40 = arith.constant 20 : i32
    }
    %scan3A_14 = arith.constant 2 : i32
    %barrier3A_15 = arith.constant 0 : index
    tpu.barrier barrier_id(%barrier3A_15)
    %mul3A_16 = arith.constant 640 : i32
    %mul3A_17 = arith.muli %arg1, %mul3A_16 : i32
    %mul3A_18 = arith.constant 640 : i32
    %mul3A_19 = arith.muli %arg1, %mul3A_18 : i32
    "tpu.region"() ({
      %run_scoped3A = tpu.sem_alloc : memref<!tpu.dma_semaphore, #tpu.memory_space<semaphore_mem>>
      %dma_start3A = arith.constant 0 : i32
      %dma_start3A_20 = arith.constant 0 : i32
      %dma_start3A_21 = tpu.memref_slice %arg5[%arg0, %dma_start3A, %dma_start3A_20] : memref<2x10240x128xf32, #tpu.memory_space<hbm>> -> memref<1x10240x128xf32, #tpu.memory_space<hbm>>
      %dma_start3A_22 = tpu.memref_squeeze %dma_start3A_21 : memref<1x10240x128xf32, #tpu.memory_space<hbm>> -> memref<10240x128xf32, #tpu.memory_space<hbm>>
      %dma_start3A_23 = arith.constant 0 : i32
      %dma_start3A_24 = tpu.memref_slice %dma_start3A_22[%mul3A_19, %dma_start3A_23] : memref<10240x128xf32, #tpu.memory_space<hbm>> -> memref<640x128xf32, #tpu.memory_space<hbm>>
      %dma_start3A_25 = arith.constant 0 : i32
      %dma_start3A_26 = tpu.memref_slice %arg10[%mul3A_17, %dma_start3A_25] : memref<10240x128xf32, #tpu.memory_space<vmem_shared>> -> memref<640x128xf32, #tpu.memory_space<vmem_shared>>
      tpu.enqueue_dma source(%dma_start3A_26 : memref<640x128xf32, #tpu.memory_space<vmem_shared>>) target(%dma_start3A_24 : memref<640x128xf32, #tpu.memory_space<hbm>>) target_semaphore(%run_scoped3A : memref<!tpu.dma_semaphore, #tpu.memory_space<semaphore_mem>>)
      %dma_wait3A = arith.constant 0 : i32
      %dma_wait3A_27 = arith.constant 0 : i32
      %dma_wait3A_28 = tpu.memref_slice %arg5[%arg0, %dma_wait3A, %dma_wait3A_27] : memref<2x10240x128xf32, #tpu.memory_space<hbm>> -> memref<1x10240x128xf32, #tpu.memory_space<hbm>>
      %dma_wait3A_29 = tpu.memref_squeeze %dma_wait3A_28 : memref<1x10240x128xf32, #tpu.memory_space<hbm>> -> memref<10240x128xf32, #tpu.memory_space<hbm>>
      %dma_wait3A_30 = arith.constant 0 : i32
      %dma_wait3A_31 = tpu.memref_slice %dma_wait3A_29[%mul3A_19, %dma_wait3A_30] : memref<10240x128xf32, #tpu.memory_space<hbm>> -> memref<640x128xf32, #tpu.memory_space<hbm>>
      %dma_wait3A_32 = arith.constant 0 : i32
      %dma_wait3A_33 = tpu.memref_slice %arg10[%mul3A_17, %dma_wait3A_32] : memref<10240x128xf32, #tpu.memory_space<vmem_shared>> -> memref<640x128xf32, #tpu.memory_space<vmem_shared>>
      tpu.wait_dma2 semaphore(%run_scoped3A : memref<!tpu.dma_semaphore, #tpu.memory_space<semaphore_mem>>) src(%dma_wait3A_33 : memref<640x128xf32, #tpu.memory_space<vmem_shared>>) dst(%dma_wait3A_31 : memref<640x128xf32, #tpu.memory_space<hbm>>)
      tpu.yield
    }) : () -> ()
    return
  }
}

#map = affine_map<(d0, d1) -> (0, 0)>
module attributes {stable_mosaic.version = 14 : i64} {
  func.func @k(%arg0: i32, %arg1: i32, %arg2: memref<2560x128xi32, #tpu.memory_space<hbm>>, %arg3: memref<32x10240xf32, #tpu.memory_space<hbm>>, %arg4: memref<80x128xi32, #tpu.memory_space<vmem>>, %arg5: memref<10240xf32, #tpu.memory_space<vmem>>) attributes {dimension_semantics = [#tpu.dimension_semantics<core_parallel>, #tpu.dimension_semantics<subcore_parallel>], iteration_bounds = array<i64: 2, 16>, scalar_prefetch = 0 : i64, scratch_operands = 2 : i64, tpu.core_type = #tpu.core_type<sc_vector_subcore>, window_params = [{transform_indices = #map}, {transform_indices = #map}]} {
    %mul3A = arith.constant 16 : i32
    %mul3A_0 = arith.muli %arg0, %mul3A : i32
    %add3A = arith.addi %mul3A_0, %arg1 : i32
    %mul3A_1 = arith.constant 80 : i32
    %mul3A_2 = arith.muli %add3A, %mul3A_1 : i32
    "tpu.region"() ({
      %run_scoped3A = tpu.sem_alloc : memref<!tpu.dma_semaphore, #tpu.memory_space<semaphore_mem>>
      %dma_start3A = arith.constant 0 : i32
      %dma_start3A_13 = tpu.memref_slice %arg2[%mul3A_2, %dma_start3A] : memref<2560x128xi32, #tpu.memory_space<hbm>> -> memref<80x128xi32, #tpu.memory_space<hbm>>
      %dma_start3A_14 = arith.constant 0 : i32
      %dma_start3A_15 = tpu.memref_slice %arg2[%mul3A_2, %dma_start3A_14] : memref<2560x128xi32, #tpu.memory_space<hbm>> -> memref<80x128xi32, #tpu.memory_space<hbm>>
      tpu.enqueue_dma source(%dma_start3A_15 : memref<80x128xi32, #tpu.memory_space<hbm>>) target(%arg4 : memref<80x128xi32, #tpu.memory_space<vmem>>) target_semaphore(%run_scoped3A : memref<!tpu.dma_semaphore, #tpu.memory_space<semaphore_mem>>)
      %dma_wait3A = arith.constant 0 : i32
      %dma_wait3A_16 = tpu.memref_slice %arg2[%mul3A_2, %dma_wait3A] : memref<2560x128xi32, #tpu.memory_space<hbm>> -> memref<80x128xi32, #tpu.memory_space<hbm>>
      %dma_wait3A_17 = arith.constant 0 : i32
      %dma_wait3A_18 = tpu.memref_slice %arg2[%mul3A_2, %dma_wait3A_17] : memref<2560x128xi32, #tpu.memory_space<hbm>> -> memref<80x128xi32, #tpu.memory_space<hbm>>
      tpu.wait_dma2 semaphore(%run_scoped3A : memref<!tpu.dma_semaphore, #tpu.memory_space<semaphore_mem>>) src(%dma_wait3A_18 : memref<80x128xi32, #tpu.memory_space<hbm>>) dst(%arg4 : memref<80x128xi32, #tpu.memory_space<vmem>>)
      tpu.yield
    }) : () -> ()
    %scan3A = arith.constant 0 : i32
    %scan3A_3 = arith.constant 640 : i32
    %scan3A_4 = arith.addi %scan3A, %scan3A_3 : i32
    %scan3A_5 = arith.constant 1 : i32
    scf.for %scan3A_13 = %scan3A to %scan3A_4 step %scan3A_5  : i32 {
      %mul3A_14 = arith.constant 16 : i32
      %mul3A_15 = arith.muli %scan3A_13, %mul3A_14 : i32
      %add3A_16 = arith.constant 0 : i32
      %add3A_17 = arith.addi %add3A_16, %mul3A_15 : i32
      %broadcast_in_dim3A_18 = arith.constant 0.000000e+00 : f32
      %broadcast_in_dim3A_19 = vector.broadcast %broadcast_in_dim3A_18 : f32 to vector<16xf32>
      %swap3A = arith.index_cast %add3A_17 : i32 to index
      %swap3A_20 = tpu.vector_load %arg5[%swap3A] {strides = array<i32>} : memref<10240xf32, #tpu.memory_space<vmem>>, vector<16xf32>,
      tpu.vector_store %arg5[%swap3A], %broadcast_in_dim3A_19 {strides = array<i32>} : memref<10240xf32, #tpu.memory_space<vmem>>, vector<16xf32>,
    }
    %scan3A_6 = arith.constant 640 : i32
    %broadcast_in_dim3A = arith.constant 1.000000e+00 : f32
    %broadcast_in_dim3A_7 = vector.broadcast %broadcast_in_dim3A : f32 to vector<16xf32>
    %scan3A_8 = arith.constant 0 : i32
    %scan3A_9 = arith.constant 80 : i32
    %scan3A_10 = arith.addi %scan3A_8, %scan3A_9 : i32
    %scan3A_11 = arith.constant 1 : i32
    scf.for %scan3A_13 = %scan3A_8 to %scan3A_10 step %scan3A_11  : i32 {
      %mul3A_14 = arith.constant 1 : i32
      %mul3A_15 = arith.muli %scan3A_13, %mul3A_14 : i32
      %add3A_16 = arith.constant 0 : i32
      %add3A_17 = arith.addi %add3A_16, %mul3A_15 : i32
      %scan3A_18 = arith.constant 0 : i32
      %scan3A_19 = arith.constant 8 : i32
      %scan3A_20 = arith.addi %scan3A_18, %scan3A_19 : i32
      %scan3A_21 = arith.constant 1 : i32
      scf.for %scan3A_23 = %scan3A_18 to %scan3A_20 step %scan3A_21  : i32 {
        %mul3A_24 = arith.constant 16 : i32
        %mul3A_25 = arith.muli %scan3A_23, %mul3A_24 : i32
        %add3A_26 = arith.constant 0 : i32
        %add3A_27 = arith.addi %add3A_26, %mul3A_25 : i32
        %get3A = arith.index_cast %add3A_17 : i32 to index
        %get3A_28 = arith.index_cast %add3A_27 : i32 to index
        %get3A_29 = tpu.vector_load %arg4[%get3A, %get3A_28] {strides = array<i32>} : memref<80x128xi32, #tpu.memory_space<vmem>>, vector<16xi32>,
        tpu.vector_store_idx %arg5[%get3A_29], %broadcast_in_dim3A_7 {add = true} : memref<10240xf32, #tpu.memory_space<vmem>>[vector<16xi32>], vector<16xf32>,
      }
      %scan3A_22 = arith.constant 8 : i32
    }
    %scan3A_12 = arith.constant 80 : i32
    "tpu.region"() ({
      %run_scoped3A = tpu.sem_alloc : memref<!tpu.dma_semaphore, #tpu.memory_space<semaphore_mem>>
      %dma_start3A = arith.constant 0 : i32
      %dma_start3A_13 = tpu.memref_slice %arg3[%add3A, %dma_start3A] : memref<32x10240xf32, #tpu.memory_space<hbm>> -> memref<1x10240xf32, #tpu.memory_space<hbm>>
      %dma_start3A_14 = tpu.memref_squeeze %dma_start3A_13 : memref<1x10240xf32, #tpu.memory_space<hbm>> -> memref<10240xf32, #tpu.memory_space<hbm>>
      %dma_start3A_15 = arith.constant 0 : i32
      %dma_start3A_16 = tpu.memref_slice %arg3[%add3A, %dma_start3A_15] : memref<32x10240xf32, #tpu.memory_space<hbm>> -> memref<1x10240xf32, #tpu.memory_space<hbm>>
      %dma_start3A_17 = tpu.memref_squeeze %dma_start3A_16 : memref<1x10240xf32, #tpu.memory_space<hbm>> -> memref<10240xf32, #tpu.memory_space<hbm>>
      tpu.enqueue_dma source(%arg5 : memref<10240xf32, #tpu.memory_space<vmem>>) target(%dma_start3A_17 : memref<10240xf32, #tpu.memory_space<hbm>>) target_semaphore(%run_scoped3A : memref<!tpu.dma_semaphore, #tpu.memory_space<semaphore_mem>>)
      %dma_wait3A = arith.constant 0 : i32
      %dma_wait3A_18 = tpu.memref_slice %arg3[%add3A, %dma_wait3A] : memref<32x10240xf32, #tpu.memory_space<hbm>> -> memref<1x10240xf32, #tpu.memory_space<hbm>>
      %dma_wait3A_19 = tpu.memref_squeeze %dma_wait3A_18 : memref<1x10240xf32, #tpu.memory_space<hbm>> -> memref<10240xf32, #tpu.memory_space<hbm>>
      %dma_wait3A_20 = arith.constant 0 : i32
      %dma_wait3A_21 = tpu.memref_slice %arg3[%add3A, %dma_wait3A_20] : memref<32x10240xf32, #tpu.memory_space<hbm>> -> memref<1x10240xf32, #tpu.memory_space<hbm>>
      %dma_wait3A_22 = tpu.memref_squeeze %dma_wait3A_21 : memref<1x10240xf32, #tpu.memory_space<hbm>> -> memref<10240xf32, #tpu.memory_space<hbm>>
      tpu.wait_dma2 semaphore(%run_scoped3A : memref<!tpu.dma_semaphore, #tpu.memory_space<semaphore_mem>>) src(%arg5 : memref<10240xf32, #tpu.memory_space<vmem>>) dst(%dma_wait3A_22 : memref<10240xf32, #tpu.memory_space<hbm>>)
      tpu.yield
    }) : () -> ()
    return
  }
}

module attributes {stable_mosaic.version = 14 : i64} {
  func.func @body(%arg0: memref<32x10240xf32, #tpu.memory_space<vmem>>, %arg1: memref<10240x128xf32, #tpu.memory_space<vmem>>, %arg2: memref<128x128xf32, #tpu.memory_space<vmem>>, %arg3: memref<10240x128xf32, #tpu.memory_space<vmem>>, %arg4: memref<10240x1xf32, #tpu.memory_space<vmem>>) attributes {dimension_semantics = [], scalar_prefetch = 0 : i64, scratch_operands = 0 : i64, tpu.core_type = #tpu.core_type<tc>} {
    %get3A = arith.constant 0 : index
    %get3A_0 = arith.constant 0 : index
    %get3A_1 = vector.load %arg0[%get3A, %get3A_0] : memref<32x10240xf32, #tpu.memory_space<vmem>>, vector<32x10240xf32>
    %reduce_sum3A = arith.constant dense<0.000000e+00> : vector<10240xf32>
    %reduce_sum3A_2 = vector.multi_reduction <add>, %get3A_1, %reduce_sum3A [0] : vector<32x10240xf32> to vector<10240xf32>
    %max3A = arith.constant 1.000000e+00 : f32
    %max3A_3 = vector.broadcast %max3A : f32 to vector<10240xf32>
    %max3A_4 = arith.maximumf %reduce_sum3A_2, %max3A_3 : vector<10240xf32>
    %rsqrt3A = math.rsqrt %max3A_4 : vector<10240xf32>
    %broadcast_in_dim3A = vector.shape_cast %rsqrt3A : vector<10240xf32> to vector<10240x1xf32>
    %swap3A = arith.constant 0 : index
    %swap3A_5 = arith.constant 0 : index
    %swap3A_6 = vector.load %arg4[%swap3A, %swap3A_5] : memref<10240x1xf32, #tpu.memory_space<vmem>>, vector<10240x1xf32>
    tpu.vector_store %arg4[%swap3A, %swap3A_5], %broadcast_in_dim3A {strides = array<i32>} : memref<10240x1xf32, #tpu.memory_space<vmem>>, vector<10240x1xf32>,
    %get3A_7 = arith.constant 0 : index
    %get3A_8 = arith.constant 0 : index
    %get3A_9 = vector.load %arg1[%get3A_7, %get3A_8] : memref<10240x128xf32, #tpu.memory_space<vmem>>, vector<10240x128xf32>
    %get3A_10 = arith.constant 0 : index
    %get3A_11 = arith.constant 0 : index
    %get3A_12 = vector.load %arg2[%get3A_10, %get3A_11] : memref<128x128xf32, #tpu.memory_space<vmem>>, vector<128x128xf32>
    %dot_general3A = arith.constant dense<0.000000e+00> : vector<10240x128xf32>
    %dot_general3A_13 = tpu.matmul %get3A_9, %get3A_12, %dot_general3A {dimension_numbers = #tpu.dot_dimension_numbers<[1], [0], [0], [1], [0, 0, 1, 1], [], []>, transpose_lhs_hint = false} : vector<10240x128xf32>, vector<128x128xf32>, vector<10240x128xf32> -> vector<10240x128xf32>
    %mul3A = vector.broadcast %broadcast_in_dim3A : vector<10240x1xf32> to vector<10240x128xf32>
    %mul3A_14 = arith.mulf %dot_general3A_13, %mul3A : vector<10240x128xf32>
    %swap3A_15 = arith.constant 0 : index
    %swap3A_16 = arith.constant 0 : index
    %swap3A_17 = vector.load %arg3[%swap3A_15, %swap3A_16] : memref<10240x128xf32, #tpu.memory_space<vmem>>, vector<10240x128xf32>
    tpu.vector_store %arg3[%swap3A_15, %swap3A_16], %mul3A_14 {strides = array<i32>} : memref<10240x128xf32, #tpu.memory_space<vmem>>, vector<10240x128xf32>,
    return
  }
}

module attributes {stable_mosaic.version = 14 : i64} {
  func.func @body(%arg0: memref<2x10240x128xf32, #tpu.memory_space<vmem>>, %arg1: memref<10240x1xf32, #tpu.memory_space<vmem>>, %arg2: memref<10240x128xf32, #tpu.memory_space<vmem>>) attributes {dimension_semantics = [], scalar_prefetch = 0 : i64, scratch_operands = 0 : i64, tpu.core_type = #tpu.core_type<tc>} {
    %get3A = arith.constant 0 : index
    %get3A_0 = arith.constant 0 : index
    %get3A_1 = vector.load %arg1[%get3A, %get3A_0] : memref<10240x1xf32, #tpu.memory_space<vmem>>, vector<10240x1xf32>
    %get3A_2 = arith.constant 0 : index
    %get3A_3 = arith.constant 0 : index
    %get3A_4 = vector.load %arg1[%get3A_2, %get3A_3] : memref<10240x1xf32, #tpu.memory_space<vmem>>, vector<10240x1xf32>
    %mul3A = arith.mulf %get3A_1, %get3A_4 : vector<10240x1xf32>
    %get3A_5 = arith.constant 0 : index
    %get3A_6 = arith.constant 0 : index
    %get3A_7 = arith.constant 0 : index
    %get3A_8 = vector.load %arg0[%get3A_5, %get3A_6, %get3A_7] : memref<2x10240x128xf32, #tpu.memory_space<vmem>>, vector<1x10240x128xf32>
    %get3A_9 = vector.shape_cast %get3A_8 : vector<1x10240x128xf32> to vector<10240x128xf32>
    %get3A_10 = arith.constant 1 : index
    %get3A_11 = arith.constant 0 : index
    %get3A_12 = arith.constant 0 : index
    %get3A_13 = vector.load %arg0[%get3A_10, %get3A_11, %get3A_12] : memref<2x10240x128xf32, #tpu.memory_space<vmem>>, vector<1x10240x128xf32>
    %get3A_14 = vector.shape_cast %get3A_13 : vector<1x10240x128xf32> to vector<10240x128xf32>
    %add3A = arith.addf %get3A_9, %get3A_14 : vector<10240x128xf32>
    %mul3A_15 = vector.broadcast %mul3A : vector<10240x1xf32> to vector<10240x128xf32>
    %mul3A_16 = arith.mulf %add3A, %mul3A_15 : vector<10240x128xf32>
    %swap3A = arith.constant 0 : index
    %swap3A_17 = arith.constant 0 : index
    %swap3A_18 = vector.load %arg2[%swap3A, %swap3A_17] : memref<10240x128xf32, #tpu.memory_space<vmem>>, vector<10240x128xf32>
    tpu.vector_store %arg2[%swap3A, %swap3A_17], %mul3A_16 {strides = array<i32>} : memref<10240x128xf32, #tpu.memory_space<vmem>>, vector<10240x128xf32>,
    return
  }
}

module attributes {stable_mosaic.version = 14 : i64} {
  func.func @body(%arg0: memref<2x10240x128xf32, #tpu.memory_space<vmem>>, %arg1: memref<10240x1xf32, #tpu.memory_space<vmem>>, %arg2: memref<1x128xf32, #tpu.memory_space<vmem>>, %arg3: memref<10000x128xf32, #tpu.memory_space<vmem>>) attributes {dimension_semantics = [], scalar_prefetch = 0 : i64, scratch_operands = 0 : i64, tpu.core_type = #tpu.core_type<tc>} {
    %get3A = arith.constant 0 : index
    %get3A_0 = arith.constant 0 : index
    %get3A_1 = arith.constant 0 : index
    %get3A_2 = vector.load %arg0[%get3A, %get3A_0, %get3A_1] : memref<2x10240x128xf32, #tpu.memory_space<vmem>>, vector<1x10240x128xf32>
    %get3A_3 = vector.shape_cast %get3A_2 : vector<1x10240x128xf32> to vector<10240x128xf32>
    %get3A_4 = arith.constant 1 : index
    %get3A_5 = arith.constant 0 : index
    %get3A_6 = arith.constant 0 : index
    %get3A_7 = vector.load %arg0[%get3A_4, %get3A_5, %get3A_6] : memref<2x10240x128xf32, #tpu.memory_space<vmem>>, vector<1x10240x128xf32>
    %get3A_8 = vector.shape_cast %get3A_7 : vector<1x10240x128xf32> to vector<10240x128xf32>
    %add3A = arith.addf %get3A_3, %get3A_8 : vector<10240x128xf32>
    %get3A_9 = arith.constant 0 : index
    %get3A_10 = arith.constant 0 : index
    %get3A_11 = vector.load %arg1[%get3A_9, %get3A_10] : memref<10240x1xf32, #tpu.memory_space<vmem>>, vector<10240x1xf32>
    %mul3A = vector.broadcast %get3A_11 : vector<10240x1xf32> to vector<10240x128xf32>
    %mul3A_12 = arith.mulf %add3A, %mul3A : vector<10240x128xf32>
    %slice3A = vector.extract_strided_slice %mul3A_12 {offsets = [0, 0], sizes = [10000, 128], strides = [1, 1]} : vector<10240x128xf32> to vector<10000x128xf32>
    %get3A_13 = arith.constant 0 : index
    %get3A_14 = arith.constant 0 : index
    %get3A_15 = vector.load %arg2[%get3A_13, %get3A_14] : memref<1x128xf32, #tpu.memory_space<vmem>>, vector<1x128xf32>
    %add3A_16 = vector.broadcast %get3A_15 : vector<1x128xf32> to vector<10000x128xf32>
    %add3A_17 = arith.addf %slice3A, %add3A_16 : vector<10000x128xf32>
    %swap3A = arith.constant 0 : index
    %swap3A_18 = arith.constant 0 : index
    %swap3A_19 = vector.load %arg3[%swap3A, %swap3A_18] : memref<10000x128xf32, #tpu.memory_space<vmem>>, vector<10000x128xf32>
    tpu.vector_store %arg3[%swap3A, %swap3A_18], %add3A_17 {strides = array<i32>} : memref<10000x128xf32, #tpu.memory_space<vmem>>, vector<10000x128xf32>,
    return
  }
}

</mosaic_0001>

<sc_bundles>
// kernel: kernel.11.cloned.1.call-start
scs
__scs_entry_jumppad:
0x0: {  	(pc) =	sbr.rel $0x88, $3  }
0x1: {  	(tag) =	ssettag $0x0;
	lr =	simm.s32 $0x1  }
0x2: {  	[smem:$0x3F9D] =	sst lr;
	_ =	strace $0xD0000000  }
0x3: {  	_ = 	snop  }
0x4: {  	_ = 	snop  }
0x5: {  	_ = 	snop  }
0x6: {  	_ = 	snop  }
0x7: {  	_ = 	snop  }
__scs_overlays_trampoline_lowered:
0x8: {  	[smem:$0x3FAC] =	sst s0  }
0x9: {  	[smem:$0x3FAD] =	sst s1  }
0xa: {  	[smem:$0x3FAE] =	sst s2  }
0xb: {  	[smem:$0x3FAF] =	sst s3  }
0xc: {  	[smem:$0x3FB0] =	sst s4  }
0xd: {  	[smem:$0x3FB1] =	sst s5  }
0xe: {  	[smem:$0x3FB2] =	sst s6  }
0xf: {  	[smem:$0x3FB3] =	sst s7  }
0x10: {  	[smem:$0x3FB4] =	sst s8  }
0x11: {  	[smem:$0x3FB5] =	sst s9;
	s0 =	simm.s32 @!p0 $0x0  }
0x12: {  	s1 =	sld [smem:$0x3F9B];
	s0 =	simm.s32 @p0 $0x1  }
0x13: {  	[smem:$0x3FB6] =	sst s0;
	s0 =	simm.s32 @!p1 $0x0  }
0x14: {  	s2 =	sld [smem:$0x3F9A];
	s0 =	simm.s32 @p1 $0x1  }
0x15: {  	[smem:$0x3FB7] =	sst s0;
	s0 =	simm.s32 @!p2 $0x0  }
0x16: {  	s3 =	sld [smem:$0x3FDB];
	s0 =	simm.s32 @p2 $0x1  }
0x17: {  	s4 =	simm.s32 $0x1BF5;
	[smem:$0x3FB9] =	sst s0  }
0x18: {  	s0 =	sld [smem:$0x3F9C];
	_ =	swait.ge [sflag:s4], $0x0  }
0x19: {  	s7 =	sld [smem:$0x3F9D]  }
0x1a: {  	s8 =	sadd.s32 $0xFFFFE003, lr  }
0x1b: {  	s9 =	sadd.s32 $0xFFFFFEF7, lr;
	s5 =	simm.s32 $0xFFFFFFFF;
	p2 =	slt.u32 s8, $0xFFFFF086  }
0x1c: {  	p1 =	slt.u32 s9, $0xF7A;
	s5 =	simm.s32 @!p2 $0x0  }
0x1d: {  	s5 =	simm.s32 @p1 $0x1;
	p0 =	seq.s32 s7, s2  }
0x1e: {  	s7 =	smul.u32 @!p0 $0xF7A, s2;
	p2 =	seq.s32 @!p0 s5, $0x0  }
0x1f: {  	s9 =	smul.u32 $0xF7A, s1;
	s8 =	simm.s32 @!p0 $0x1BF5;
	p2 =	por !p2, p0  }
0x20: {  	[sflag:s8] =	ssyncset.s32 @!p0 $0xFFFFF086;
	s6 =	sadd.s32 @!p0 s3, s7;
	s7 =	simm.s32 @!p0 $0x108  }
0x21: {  	s3 =	sadd.s32 s3, s9;
	s6 =	sadd.s32 @!p0 $0x88, s6;
	s7 =	simm.s32 @p2 $0x1082  }
0x22: {  	[simem:s7], [sflag:s8] =	dma.local @!p0 [hbm:s6], $0xF7A  }
0x23: {  	s9 =	sor.u32 $0xD0000000, s2;
	s6 =	simm.s32 $0x108;
	_ =	swait.ge @!p0 [sflag:s8], $0x0  }
0x24: {  	s3 =	sadd.s32 $0x88, s3;
	s6 =	simm.s32 @!p1 $0x1082;
	[sflag:s4] =	ssyncset.s32 $0xFFFFF086  }
0x25: {  	[simem:s6], [sflag:s4] =	dma.local [hbm:s3], $0xF7A  }
0x26: {  	[smem:$0x3F9D] =	sst s1;
	(tag) =	ssettag s2;
	_ =	strace s9  }
0x27: {  	s1 =	sld [smem:$0x3FAD]  }
0x28: {  	s2 =	sld [smem:$0x3FAE]  }
0x29: {  	s4 =	sld [smem:$0x3FB0]  }
0x2a: {  	p0 =	seq.s32 s5, $0x0;
	s5 =	sld [smem:$0x3FB1]  }
0x2b: {  	s6 =	sld [smem:$0x3FB2]  }
0x2c: {  	s7 =	sld [smem:$0x3FB3]  }
0x2d: {  	s3 =	simm.s32 $0x108;
	s8 =	sld [smem:$0x3FB4]  }
0x2e: {  	s3 =	simm.s32 @!p0 $0x1082;
	s9 =	sld [smem:$0x3FB5]  }
0x2f: {  	lr =	sadd.s32 s0, s3;
	s0 =	sld [smem:$0x3FAC]  }
0x30: {  	s3 =	sld [smem:$0x3FAF]  }
0x31: {  	[smem:$0x3FB8] =	sst s10  }
0x32: {  	s10 =	sld [smem:$0x3FB6];
	_ =	sdelay $0x3  }
0x33: {  	p0 =	seq.s32 s10, $0x1;
	s10 =	sld [smem:$0x3FB8];
	_ =	sdelay $0x3  }
0x34: {  	[smem:$0x3FB8] =	sst s10  }
0x35: {  	s10 =	sld [smem:$0x3FB7];
	_ =	sdelay $0x3  }
0x36: {  	p1 =	seq.s32 s10, $0x1;
	s10 =	sld [smem:$0x3FB8];
	_ =	sdelay $0x3  }
0x37: {  	[smem:$0x3FB8] =	sst s10  }
0x38: {  	s10 =	sld [smem:$0x3FB9]  }
0x39: {  	_ = 	snop;
	(pc) =	sbr.ind lr, $3  }
0x3a: {  	_ = 	snop  }
0x3b: {  	_ = 	snop  }
0x3c: {  	p2 =	seq.s32 s10, $0x1;
	s10 =	sld [smem:$0x3FB8]  }
0x3d: {  	_ =	shalt  }
0x3e: {  	_ =	shalt  }
0x3f: {  	_ =	shalt  }
0x40: {  	_ =	shalt  }
0x41: {  	_ =	shalt  }
0x42: {  	_ =	shalt  }
0x43: {  	_ =	shalt  }
0x44: {  	_ =	shalt  }
0x45: {  	_ =	shalt  }
0x46: {  	_ =	shalt  }
0x47: {  	_ =	shalt  }
0x48: {  	_ =	shalt  }
0x49: {  	_ =	shalt  }
0x4a: {  	_ =	shalt  }
0x4b: {  	_ =	shalt  }
0x4c: {  	_ =	shalt  }
0x4d: {  	_ =	shalt  }
0x4e: {  	_ =	shalt  }
0x4f: {  	_ =	shalt  }
0x50: {  	_ =	shalt  }
0x51: {  	_ =	shalt  }
0x52: {  	_ =	shalt  }
0x53: {  	_ =	shalt  }
0x54: {  	_ =	shalt  }
0x55: {  	_ =	shalt  }
0x56: {  	_ =	shalt  }
0x57: {  	_ =	shalt  }
0x58: {  	_ =	shalt  }
0x59: {  	_ =	shalt  }
0x5a: {  	_ =	shalt  }
0x5b: {  	_ =	shalt  }
0x5c: {  	_ =	shalt  }
0x5d: {  	_ =	shalt  }
0x5e: {  	_ =	shalt  }
0x5f: {  	_ =	shalt  }
0x60: {  	_ =	shalt  }
0x61: {  	_ =	shalt  }
0x62: {  	_ =	shalt  }
0x63: {  	_ =	shalt  }
0x64: {  	_ =	shalt  }
0x65: {  	_ =	shalt  }
0x66: {  	_ =	shalt  }
0x67: {  	_ =	shalt  }
0x68: {  	_ =	shalt  }
0x69: {  	_ =	shalt  }
0x6a: {  	_ =	shalt  }
0x6b: {  	_ =	shalt  }
0x6c: {  	_ =	shalt  }
0x6d: {  	_ =	shalt  }
0x6e: {  	_ =	shalt  }
0x6f: {  	_ =	shalt  }
0x70: {  	_ =	shalt  }
0x71: {  	_ =	shalt  }
0x72: {  	_ =	shalt  }
0x73: {  	_ =	shalt  }
0x74: {  	_ =	shalt  }
0x75: {  	_ =	shalt  }
0x76: {  	_ =	shalt  }
0x77: {  	_ =	shalt  }
0x78: {  	_ =	shalt  }
0x79: {  	_ =	shalt  }
0x7a: {  	_ =	shalt  }
0x7b: {  	_ =	shalt  }
0x7c: {  	_ =	shalt  }
0x7d: {  	_ =	shalt  }
0x7e: {  	_ =	shalt  }
0x7f: {  	_ =	shalt  }
0x80: {  	_ =	shalt  }
0x81: {  	_ =	shalt  }
0x82: {  	_ =	shalt  }
0x83: {  	_ =	shalt  }
0x84: {  	_ =	shalt  }
0x85: {  	_ =	shalt  }
0x86: {  	_ =	shalt  }
0x87: {  	_ =	shalt  }
.Lfunc_end0:
.L_simem_size_0:
called_computation.1_lowered:
.L_overlay_start_0:
0x88: {  	s2 =	sld [smem:$0x3FD9]  }
0x89: {  	s3 =	sld [smem:$0x3FFE];
	_ =	sdelay $0x1  }
0x8a: {  	s1 =	srdreg.scid  }
0x8b: {  	s0 =	sand.u32 $0x1, s1  }
0x8c: {  	s17 =	sshll.u32 s0, $0xA;
	s2 =	sadd.s32 s3, s2  }
0x8d: {  	s2 =	sadd.s32 s2, s17  }
0x8e: {  	[smem:$0x3FC4] =	sst s2  }
0x8f: {  	_ = 	snop  }
0x90: {  	s2 =	sld [smem:$0x3FD0];
	(tm) =	ssettm $0x1  }
0x91: {  	s18 =	sld [smem:$0x3FFB];
	_ =	sdelay $0x3  }
0x92: {  	_ =	strace s18  }
0x93: {  	s3 =	sld [smem:$0x3FFC];
	_ =	sdelay $0x3  }
0x94: {  	_ =	strace s3  }
0x95: {  	s3 =	sld [smem:$0x3FFD];
	_ =	sdelay $0x3  }
0x96: {  	_ =	strace s3  }
0x97: {  	_ =	strace $0x8FFFFFFF  }
0x98: {  	s19 =	sld [smem:$0x3FDB];
	_ =	sdelay $0x1  }
0x99: {  	s4 =	simm.s32 $_scs_section_size  }
0x9a: {  	s5 =	simm.s32 $_size__tile_overlayer_lowered;
	s6 =	simm.s32 $_tile_overlayer_lowered  }
0x9b: {  	s22 =	simm.s32 $0x1BFF;
	s21 =	sshll.u32 s6, $0x1;
	s3 =	sadd.s32 s4, s19  }
0x9c: {  	s7 =	simm.s32 $0x0;
	s20 =	sshll.u32 s5, $0x1;
	s5 =	sadd.s32 s21, s3  }
0x9d: {  	[timem:s7], [sflag:s22] =	dma.local [hbm:s5], s20  }
0x9e: {  	_ =	swait.ge [sflag:s22], s20  }
0x9f: {  	s4 =	ssub.s32 $0x0, s20;
	[sflag:s22] =	ssyncset.done $0x0  }
0xa0: {  	[sflag:s22] =	ssyncadd.s32 s4;
	_ =	sdelay $0x1  }
0xa1: {  	s23 =	simm.s32 $0x1B8B  }
0xa2: {  	_ =	swait.ge [sflag:s23], $0x1  }
0xa3: {  	[sflag:s23] =	ssyncset.done $0x0  }
0xa4: {  	s25 =	simm.s32 $0x1B8E;
	s24 =	sld [smem:$0x3FFE];
	[sflag:s23] =	ssyncadd.s32 $0xFFFFFFFF  }
0xa5: {  	s26 =	simm.s32 $execute0_lowered;
	[smem:$0x3FD2] =	sst s25  }
0xa6: {  	s5 =	sshll.u32 s26, $0x1;
	_ =	strace $0x80000049;
	[dreg:$0x1] =	wrdreg $0xFFFFFFFF  }
0xa7: {  	s28 =	simm.s32 $_size_execute0_lowered;
	s3 =	sadd.s32 s3, s5;
	[dreg:$0x0] =	wrdreg $0x0  }
0xa8: {  	s5 =	sshll.u32 s28, $0x1;
	[dreg:$0x2] =	wrdreg s3  }
0xa9: {  	[dreg:$0x3] =	wrdreg s5  }
0xaa: {  	[dreg:$0x4] =	wrdreg $0xC0  }
0xab: {  	_ =	task [dreg:s7], $0x5FFFF  }
0xac: {  	[dreg:$0x1] =	wrdreg $0xFFFFFFFF  }
0xad: {  	[dreg:$0x0] =	wrdreg $0x60  }
0xae: {  	[dreg:$0x2] =	wrdreg s24  }
0xaf: {  	[dreg:$0x3] =	wrdreg s2  }
0xb0: {  	[dreg:$0x4] =	wrdreg $0xA8000  }
0xb1: {  	[dreg:$0x5] =	wrdreg $0x9  }
0xb2: {  	_ =	task.clear_ibuf [dreg:s7], $0x6FFFF;
	_ =	strace $0x90000049  }
0xb3: {  	s29 =	simm.s32 $0x9;
	_ =	strace $0x8000004B  }
0xb4: {  	_ =	swait.ge [sflag:s29], $0x1  }
0xb5: {  	[sflag:s29] =	ssyncadd.s32 $0xFFFFFFFF  }
0xb6: {  	_ =	strace $0x9000004B  }
0xb7: {  	_ =	sfence  }
0xb8: {  	s30 =	sld [smem:$0x0];
	_ =	sdelay $0x2  }
0xb9: {  	s31 =	sshll.u32 s1, $0xD;
	s1 =	sshrl.u32 s1, $0x2  }
0xba: {  	s3 =	sand.u32 $0x4000, s31;
	s1 =	sadd.s32 s1, s30  }
0xbb: {  	s0 =	sor.u32 s3, s0;
	s1 =	sshll.u32 s1, $0x11  }
0xbc: {  	s0 =	sor.u32 s1, s0  }
0xbd: {  	s0 =	sadd.s32 $0x8F2B, s0  }
0xbe: {  	[sflag:s0] =	ssyncadd.remote.s32 $0x1  }
0xbf: {  	_ =	sfence.sel $0xFFFF  }
0xc0: {  	[dreg:$0x0] =	wrdreg $0xFFFFFFFF;
	(pc) =	sbr.abs _section_cstart, $3  }
0xc1: {  	[dreg:$0x1] =	wrdreg $0xFFFFFFFF  }
0xc2: {  	_ =	task.clear_ibuf [dreg:s7], $0x2FFFF;
	_ =	strace $0x9FFFFFFF  }
0xc3: {  	(tm) =	ssettm $0x7FFFFFFF  }
tec
execute0_lowered:
.L_overlay_start_1:
0x0: {  	(tag) =	ssettag $0x1  }
0x1: {  	s5 =	rddreg [dreg:$0x0]  }
0x2: {  	s13 =	rddreg [dreg:$0x1]  }
0x3: {  	s1 =	rddreg [dreg:$0x2]  }
0x4: {  	s0 =	rddreg [dreg:$0x3]  }
0x5: {  	s2 =	simm.s32 $0x0;
	s3 =	srdreg.scid;
	s16 =	simm.s32 $0x3  }
0x6: {  	s17 =	simm.s32 $0x1400;
	s18 =	simm.s32 $0x80;
	s19 =	simm.s32 $0x6800  }
0x7: {  	s20 =	simm.s32 $0x1;
	s21 =	simm.s32 $0x2;
	s22 =	simm.s32 $0x1380  }
0x8: {  	s23 =	simm.s32 $0x2700;
	[smem:$0x7FF] =	sst s2;
	s6 =	sand.u32 $0x1, s3  }
0x9: {  	s4 =	sadd.s32 $0xBE00, s5;
	s3 =	stileid.u32;
	s7 =	smul.u32 $0x28000, s6  }
0xa: {  	s14 =	sadd.s32 $0x1E00, s5;
	_ =	strace $0x8000004A;
	s10 =	smul.u32 $0x50000, s3  }
0xb: {  	s8 =	ssub.s32 $0x2, s6;
	s30 =	sshll.u32 s6, $0x4;
	s24 =	smul.u32 $0x2800, s3  }
0xc: {  	s9 =	sshrl.u32 s8, $0x1;
	s6 =	sor.u32 s3, s30;
	s7 =	sadd.s32 s7, s5  }
0xd: {  	s8 =	ssub.s32 s8, s9;
	s31 =	sshrl.u32 s10, $0x2;
	s12 =	smul.u32 $0x500, s6  }
0xe: {  	s5 =	sadd.s32 s31, s1;
	s25 =	sadd.s32 $0x33E00, s7;
	s6 =	smax.u32 s8, $0x1  }
0xf: {  	s7 =	sadd.s32 $0x4000, s5;
	s8 =	sadd.s32 $0x8000, s5;
	s9 =	sadd.s32 $0xC000, s5  }
0x10: {  	s10 =	sadd.s32 $0x10000, s5;
	s15 =	sadd.s32 $0x280, s12;
	s11 =	sadd.s32 s13, s12  }
0x11: {  	s12 =	sadd.s32 s14, s12;
	s24 =	sadd.s32 s24, s25;
	s25 =	simm.s32 $0x2780  }
0x12: {  	v0 =	vimm.f32 $0.0e+00;
	s13 =	sadd.s32 s13, s15;
	s14 =	sadd.s32 s14, s15;
	s15 =	simm.s32 $0x2800  }
.LBB2_1:
0x13: {  	s26 =	simm.s32 $0x0;
	s28 =	simm.s32 $0x200  }
.LBB2_2:
0x14: {  	p0 =	sne.s32 s28, $0xFE00;
	[tilespmem:s26+$0x2870] =	vst v0  }
0x15: {  	[tilespmem:s26+$0x2800] =	vst v0  }
0x16: {  	[tilespmem:s26+$0x2810] =	vst v0  }
.Ltmp0:
0x17: {  	[tilespmem:s26+$0x2820] =	vst v0;
	(pc) =	sbr.rel @p0 .LBB2_2-.Ltmp0, $4  }
0x18: {  	[tilespmem:s26+$0x2830] =	vst v0  }
0x19: {  	[tilespmem:s26+$0x2840] =	vst v0  }
0x1a: {  	[tilespmem:s26+$0x2850] =	vst v0  }
0x1b: {  	[tilespmem:s26+$0x2860] =	vst v0;
	s26 =	sshra.s32 s28, $0x2;
	s28 =	sadd.s32 $0x200, s28  }
0x1c: {  	[tilespmem:s26+$0x2870] =	vst v0  }
0x1d: {  	[tilespmem:s26+$0x2800] =	vst v0  }
0x1e: {  	[tilespmem:s26+$0x2810] =	vst v0  }
0x1f: {  	[tilespmem:s26+$0x2820] =	vst v0  }
0x20: {  	[tilespmem:s26+$0x2830] =	vst v0  }
0x21: {  	[tilespmem:s26+$0x2840] =	vst v0  }
0x22: {  	[tilespmem:s26+$0x2850] =	vst v0  }
0x23: {  	[tilespmem:s26+$0x2860] =	vst v0  }
0x24: {  	[spmem:s5] =	stream.linear.scatter [tilespmem:s15], [sflag:$0x3], $0x4000, $0x38;
	[tilespmem:$0x1E800] =	vst v63  }
0x25: {  	_ =	swait.ge [sflag:s16], $0x4000  }
0x26: {  	[sflag:s16] =	ssyncset.done $0x0  }
0x27: {  	[sflag:s16] =	ssyncadd.s32 $0xFFFFC000  }
0x28: {  	[spmem:s7] =	stream.linear.scatter [tilespmem:s15], [sflag:$0x3], $0x4000, $0x38;
	[tilespmem:$0x1E800] =	vst v63  }
0x29: {  	_ =	swait.ge [sflag:s16], $0x4000  }
0x2a: {  	[sflag:s16] =	ssyncset.done $0x0  }
0x2b: {  	[sflag:s16] =	ssyncadd.s32 $0xFFFFC000  }
0x2c: {  	[spmem:s8] =	stream.linear.scatter [tilespmem:s15], [sflag:$0x3], $0x4000, $0x38;
	[tilespmem:$0x1E800] =	vst v63  }
0x2d: {  	_ =	swait.ge [sflag:s16], $0x4000  }
0x2e: {  	[sflag:s16] =	ssyncset.done $0x0  }
0x2f: {  	[sflag:s16] =	ssyncadd.s32 $0xFFFFC000  }
0x30: {  	[spmem:s9] =	stream.linear.scatter [tilespmem:s15], [sflag:$0x3], $0x4000, $0x38;
	[tilespmem:$0x1E800] =	vst v63  }
0x31: {  	_ =	swait.ge [sflag:s16], $0x4000  }
0x32: {  	[sflag:s16] =	ssyncset.done $0x0  }
0x33: {  	[sflag:s16] =	ssyncadd.s32 $0xFFFFC000  }
0x34: {  	[spmem:s10] =	stream.linear.scatter [tilespmem:s15], [sflag:$0x3], $0x4000, $0x38;
	[tilespmem:$0x1E800] =	vst v63  }
0x35: {  	_ =	swait.ge [sflag:s16], $0x4000  }
0x36: {  	[sflag:s16] =	ssyncset.done $0x0  }
0x37: {  	[sflag:s16] =	ssyncadd.s32 $0xFFFFC000  }
0x38: {  	s30 =	simm.s32 $0x0;
	[bflag:$0x0] =	sbarrier.arrive $0xFFFF  }
0x39: {  	[tilespmem:s30], [sflag:$0x3] =	stream.linear.gather [hbm4b:s11+s30], $0x1400, $0x38;
	[tilespmem:$0x1E800] =	vst v63  }
0x3a: {  	_ =	swait.ge [sflag:s16], $0x1400  }
0x3b: {  	[sflag:s16] =	ssyncset.done $0x0  }
0x3c: {  	[sflag:s16] =	ssyncadd.s32 $0xFFFFEC00  }
0x3d: {  	[tilespmem:s17], [sflag:$0x3] =	stream.linear.gather [hbm4b:s12+s30], $0x1400, $0x38;
	[tilespmem:$0x1E800] =	vst v63  }
0x3e: {  	_ =	swait.ge [sflag:s16], $0x1400  }
0x3f: {  	[sflag:s16] =	ssyncset.done $0x0  }
0x40: {  	[sflag:s16] =	ssyncadd.s32 $0xFFFFEC00  }
0x41: {  	[tilespmem:s15], [sflag:$0x1] =	stream.indirect.gather [hbm4b:s4+s18], $0x80, s30, s18, $0xb8;
	[tilespmem:$0x1E800] =	vst v63  }
0x42: {  	s31 =	simm.s32 $0x80  }
0x43: {  	[tilespmem:s19], [sflag:$0x2] =	stream.indirect.gather [hbm4b:s4+s18], $0x80, s31, s18, $0xb8;
	[tilespmem:$0x1E800] =	vst v63  }
0x44: {  	_ =	swait.ge [sflag:s20], $0x4000  }
0x45: {  	[sflag:s20] =	ssyncset.done $0x0  }
0x46: {  	s29 =	simm.s32 $0x1400;
	[sflag:s20] =	ssyncadd.s32 $0xFFFFC000  }
0x47: {  	[spmem:s1] =	stream.indirect.scatter.add.f32 [tilespmem:s15], [sflag:$0x3], $0x80, s29, s18, $0xb8;
	[tilespmem:$0x1E800] =	vst v63  }
0x48: {  	_ =	swait.ge [sflag:s16], $0x4000  }
0x49: {  	[sflag:s16] =	ssyncset.done $0x0  }
0x4a: {  	s30 =	simm.s32 $0x100;
	[sflag:s16] =	ssyncadd.s32 $0xFFFFC000  }
0x4b: {  	[tilespmem:s15], [sflag:$0x1] =	stream.indirect.gather [hbm4b:s4+s18], $0x80, s30, s18, $0xb8;
	[tilespmem:$0x1E800] =	vst v63  }
0x4c: {  	_ =	swait.ge [sflag:s21], $0x4000  }
0x4d: {  	[sflag:s21] =	ssyncset.done $0x0  }
0x4e: {  	s31 =	simm.s32 $0x1480;
	[sflag:s21] =	ssyncadd.s32 $0xFFFFC000  }
0x4f: {  	[spmem:s1] =	stream.indirect.scatter.add.f32 [tilespmem:s19], [sflag:$0x3], $0x80, s31, s18, $0xb8;
	[tilespmem:$0x1E800] =	vst v63  }
0x50: {  	_ =	swait.ge [sflag:s16], $0x4000  }
0x51: {  	s28 =	simm.s32 $0x800;
	s26 =	simm.s32 $0x100;
	[sflag:s16] =	ssyncset.done $0x0  }
.LBB2_4:
0x52: {  	s29 =	sadd.s32 $0x80, s26  }
0x53: {  	[sflag:s16] =	ssyncadd.s32 $0xFFFFC000;
	s30 =	smov.u32 s28;
	s31 =	sadd.s32 $0x400, s28  }
0x54: {  	[tilespmem:s19], [sflag:$0x2] =	stream.indirect.gather [hbm4b:s4+s18], $0x80, s29, s18, $0xb8;
	[tilespmem:$0x1E800] =	vst v63  }
0x55: {  	p0 =	sne.s32 s28, $0x4800;
	_ =	swait.ge [sflag:s20], $0x4000  }
0x56: {  	[sflag:s20] =	ssyncset.done $0x0  }
0x57: {  	s28 =	sadd.s32 $0x1400, s26;
	[sflag:s20] =	ssyncadd.s32 $0xFFFFC000  }
0x58: {  	[spmem:s1] =	stream.indirect.scatter.add.f32 [tilespmem:s15], [sflag:$0x3], $0x80, s28, s18, $0xb8;
	[tilespmem:$0x1E800] =	vst v63  }
0x59: {  	_ =	swait.ge [sflag:s16], $0x4000  }
0x5a: {  	[sflag:s16] =	ssyncset.done $0x0  }
0x5b: {  	s28 =	sadd.s32 $0x100, s26;
	[sflag:s16] =	ssyncadd.s32 $0xFFFFC000  }
0x5c: {  	[tilespmem:s15], [sflag:$0x1] =	stream.indirect.gather [hbm4b:s4+s18], $0x80, s28, s18, $0xb8;
	[tilespmem:$0x1E800] =	vst v63  }
0x5d: {  	_ =	swait.ge [sflag:s21], $0x4000  }
.Ltmp1:
0x5e: {  	[sflag:s21] =	ssyncset.done $0x0;
	(pc) =	sbr.rel @p0 .LBB2_4-.Ltmp1, $4  }
0x5f: {  	s26 =	sadd.s32 $0x1480, s26;
	[sflag:s21] =	ssyncadd.s32 $0xFFFFC000  }
0x60: {  	[spmem:s1] =	stream.indirect.scatter.add.f32 [tilespmem:s19], [sflag:$0x3], $0x80, s26, s18, $0xb8;
	[tilespmem:$0x1E800] =	vst v63  }
0x61: {  	_ =	swait.ge [sflag:s16], $0x4000  }
0x62: {  	s28 =	smov.u32 s31;
	s26 =	sshra.s32 s30, $0x2;
	[sflag:s16] =	ssyncset.done $0x0  }
0x63: {  	s28 =	sadd.s32 $0x80, s26;
	[sflag:s16] =	ssyncadd.s32 $0xFFFFC000  }
0x64: {  	[tilespmem:s19], [sflag:$0x2] =	stream.indirect.gather [hbm4b:s4+s18], $0x80, s28, s18, $0xb8;
	[tilespmem:$0x1E800] =	vst v63  }
0x65: {  	_ =	swait.ge [sflag:s20], $0x4000  }
0x66: {  	[sflag:s20] =	ssyncset.done $0x0  }
0x67: {  	s28 =	sadd.s32 $0x1400, s26;
	[sflag:s20] =	ssyncadd.s32 $0xFFFFC000  }
0x68: {  	[spmem:s1] =	stream.indirect.scatter.add.f32 [tilespmem:s15], [sflag:$0x3], $0x80, s28, s18, $0xb8;
	[tilespmem:$0x1E800] =	vst v63  }
0x69: {  	_ =	swait.ge [sflag:s16], $0x4000  }
0x6a: {  	[sflag:s16] =	ssyncset.done $0x0  }
0x6b: {  	s28 =	sadd.s32 $0x100, s26;
	[sflag:s16] =	ssyncadd.s32 $0xFFFFC000  }
0x6c: {  	[tilespmem:s15], [sflag:$0x1] =	stream.indirect.gather [hbm4b:s4+s18], $0x80, s28, s18, $0xb8;
	[tilespmem:$0x1E800] =	vst v63  }
0x6d: {  	_ =	swait.ge [sflag:s21], $0x4000  }
0x6e: {  	[sflag:s21] =	ssyncset.done $0x0  }
0x6f: {  	s29 =	sadd.s32 $0x1480, s26;
	[sflag:s21] =	ssyncadd.s32 $0xFFFFC000  }
0x70: {  	[spmem:s1] =	stream.indirect.scatter.add.f32 [tilespmem:s19], [sflag:$0x3], $0x80, s29, s18, $0xb8;
	[tilespmem:$0x1E800] =	vst v63  }
0x71: {  	_ =	swait.ge [sflag:s16], $0x4000  }
0x72: {  	[sflag:s16] =	ssyncset.done $0x0  }
0x73: {  	[sflag:s16] =	ssyncadd.s32 $0xFFFFC000  }
0x74: {  	[tilespmem:s19], [sflag:$0x2] =	stream.indirect.gather [hbm4b:s4+s18], $0x80, s22, s18, $0xb8;
	[tilespmem:$0x1E800] =	vst v63  }
0x75: {  	_ =	swait.ge [sflag:s20], $0x4000  }
0x76: {  	[sflag:s20] =	ssyncset.done $0x0  }
0x77: {  	[sflag:s20] =	ssyncadd.s32 $0xFFFFC000  }
0x78: {  	[spmem:s1] =	stream.indirect.scatter.add.f32 [tilespmem:s15], [sflag:$0x3], $0x80, s23, s18, $0xb8;
	[tilespmem:$0x1E800] =	vst v63  }
0x79: {  	_ =	swait.ge [sflag:s16], $0x4000  }
0x7a: {  	[sflag:s16] =	ssyncset.done $0x0  }
0x7b: {  	[sflag:s16] =	ssyncadd.s32 $0xFFFFC000  }
0x7c: {  	_ =	swait.ge [sflag:s21], $0x4000  }
0x7d: {  	[sflag:s21] =	ssyncset.done $0x0  }
0x7e: {  	[sflag:s21] =	ssyncadd.s32 $0xFFFFC000  }
0x7f: {  	[spmem:s1] =	stream.indirect.scatter.add.f32 [tilespmem:s19], [sflag:$0x3], $0x80, s25, s18, $0xb8;
	[tilespmem:$0x1E800] =	vst v63  }
0x80: {  	_ =	swait.ge [sflag:s16], $0x4000  }
0x81: {  	[sflag:s16] =	ssyncset.done $0x0  }
0x82: {  	s30 =	simm.s32 $0x0;
	[sflag:s16] =	ssyncadd.s32 $0xFFFFC000  }
0x83: {  	[tilespmem:s30], [sflag:$0x3] =	stream.linear.gather [hbm4b:s13+s30], $0x1400, $0x38;
	[tilespmem:$0x1E800] =	vst v63  }
0x84: {  	_ =	swait.ge [sflag:s16], $0x1400  }
0x85: {  	[sflag:s16] =	ssyncset.done $0x0  }
0x86: {  	[sflag:s16] =	ssyncadd.s32 $0xFFFFEC00  }
0x87: {  	[tilespmem:s17], [sflag:$0x3] =	stream.linear.gather [hbm4b:s14+s30], $0x1400, $0x38;
	[tilespmem:$0x1E800] =	vst v63  }
0x88: {  	_ =	swait.ge [sflag:s16], $0x1400  }
0x89: {  	[sflag:s16] =	ssyncset.done $0x0  }
0x8a: {  	[sflag:s16] =	ssyncadd.s32 $0xFFFFEC00  }
0x8b: {  	[tilespmem:s15], [sflag:$0x1] =	stream.indirect.gather [hbm4b:s4+s18], $0x80, s30, s18, $0xb8;
	[tilespmem:$0x1E800] =	vst v63  }
0x8c: {  	s31 =	simm.s32 $0x80  }
0x8d: {  	[tilespmem:s19], [sflag:$0x2] =	stream.indirect.gather [hbm4b:s4+s18], $0x80, s31, s18, $0xb8;
	[tilespmem:$0x1E800] =	vst v63  }
0x8e: {  	_ =	swait.ge [sflag:s20], $0x4000  }
0x8f: {  	[sflag:s20] =	ssyncset.done $0x0  }
0x90: {  	s29 =	simm.s32 $0x1400;
	[sflag:s20] =	ssyncadd.s32 $0xFFFFC000  }
0x91: {  	[spmem:s1] =	stream.indirect.scatter.add.f32 [tilespmem:s15], [sflag:$0x3], $0x80, s29, s18, $0xb8;
	[tilespmem:$0x1E800] =	vst v63  }
0x92: {  	_ =	swait.ge [sflag:s16], $0x4000  }
0x93: {  	[sflag:s16] =	ssyncset.done $0x0  }
0x94: {  	s30 =	simm.s32 $0x100;
	[sflag:s16] =	ssyncadd.s32 $0xFFFFC000  }
0x95: {  	[tilespmem:s15], [sflag:$0x1] =	stream.indirect.gather [hbm4b:s4+s18], $0x80, s30, s18, $0xb8;
	[tilespmem:$0x1E800] =	vst v63  }
0x96: {  	_ =	swait.ge [sflag:s21], $0x4000  }
0x97: {  	[sflag:s21] =	ssyncset.done $0x0  }
0x98: {  	s31 =	simm.s32 $0x1480;
	[sflag:s21] =	ssyncadd.s32 $0xFFFFC000  }
0x99: {  	[spmem:s1] =	stream.indirect.scatter.add.f32 [tilespmem:s19], [sflag:$0x3], $0x80, s31, s18, $0xb8;
	[tilespmem:$0x1E800] =	vst v63  }
0x9a: {  	_ =	swait.ge [sflag:s16], $0x4000  }
0x9b: {  	s26 =	simm.s32 $0x100;
	s28 =	simm.s32 $0x800;
	[sflag:s16] =	ssyncset.done $0x0  }
.LBB2_6:
0x9c: {  	s29 =	sadd.s32 $0x80, s26  }
0x9d: {  	[sflag:s16] =	ssyncadd.s32 $0xFFFFC000;
	s30 =	smov.u32 s28;
	s31 =	sadd.s32 $0x400, s28  }
0x9e: {  	[tilespmem:s19], [sflag:$0x2] =	stream.indirect.gather [hbm4b:s4+s18], $0x80, s29, s18, $0xb8;
	[tilespmem:$0x1E800] =	vst v63  }
0x9f: {  	p0 =	sne.s32 s28, $0x4800;
	_ =	swait.ge [sflag:s20], $0x4000  }
0xa0: {  	[sflag:s20] =	ssyncset.done $0x0  }
0xa1: {  	s28 =	sadd.s32 $0x1400, s26;
	[sflag:s20] =	ssyncadd.s32 $0xFFFFC000  }
0xa2: {  	[spmem:s1] =	stream.indirect.scatter.add.f32 [tilespmem:s15], [sflag:$0x3], $0x80, s28, s18, $0xb8;
	[tilespmem:$0x1E800] =	vst v63  }
0xa3: {  	_ =	swait.ge [sflag:s16], $0x4000  }
0xa4: {  	[sflag:s16] =	ssyncset.done $0x0  }
0xa5: {  	s28 =	sadd.s32 $0x100, s26;
	[sflag:s16] =	ssyncadd.s32 $0xFFFFC000  }
0xa6: {  	[tilespmem:s15], [sflag:$0x1] =	stream.indirect.gather [hbm4b:s4+s18], $0x80, s28, s18, $0xb8;
	[tilespmem:$0x1E800] =	vst v63  }
0xa7: {  	_ =	swait.ge [sflag:s21], $0x4000  }
.Ltmp2:
0xa8: {  	[sflag:s21] =	ssyncset.done $0x0;
	(pc) =	sbr.rel @p0 .LBB2_6-.Ltmp2, $4  }
0xa9: {  	s26 =	sadd.s32 $0x1480, s26;
	[sflag:s21] =	ssyncadd.s32 $0xFFFFC000  }
0xaa: {  	[spmem:s1] =	stream.indirect.scatter.add.f32 [tilespmem:s19], [sflag:$0x3], $0x80, s26, s18, $0xb8;
	[tilespmem:$0x1E800] =	vst v63  }
0xab: {  	_ =	swait.ge [sflag:s16], $0x4000  }
0xac: {  	s28 =	smov.u32 s31;
	s26 =	sshra.s32 s30, $0x2;
	[sflag:s16] =	ssyncset.done $0x0  }
0xad: {  	s28 =	sadd.s32 $0x80, s26;
	[sflag:s16] =	ssyncadd.s32 $0xFFFFC000  }
0xae: {  	[tilespmem:s19], [sflag:$0x2] =	stream.indirect.gather [hbm4b:s4+s18], $0x80, s28, s18, $0xb8;
	[tilespmem:$0x1E800] =	vst v63  }
0xaf: {  	_ =	swait.ge [sflag:s20], $0x4000  }
0xb0: {  	[sflag:s20] =	ssyncset.done $0x0  }
0xb1: {  	s30 =	sadd.s32 $0x1400, s26;
	[sflag:s20] =	ssyncadd.s32 $0xFFFFC000  }
0xb2: {  	[spmem:s1] =	stream.indirect.scatter.add.f32 [tilespmem:s15], [sflag:$0x3], $0x80, s30, s18, $0xb8;
	[tilespmem:$0x1E800] =	vst v63  }
0xb3: {  	_ =	swait.ge [sflag:s16], $0x4000  }
0xb4: {  	[sflag:s16] =	ssyncset.done $0x0  }
0xb5: {  	s31 =	sadd.s32 $0x100, s26;
	[sflag:s16] =	ssyncadd.s32 $0xFFFFC000  }
0xb6: {  	[tilespmem:s15], [sflag:$0x1] =	stream.indirect.gather [hbm4b:s4+s18], $0x80, s31, s18, $0xb8;
	[tilespmem:$0x1E800] =	vst v63  }
0xb7: {  	_ =	swait.ge [sflag:s21], $0x4000  }
0xb8: {  	[sflag:s21] =	ssyncset.done $0x0  }
0xb9: {  	s29 =	sadd.s32 $0x1480, s26;
	[sflag:s21] =	ssyncadd.s32 $0xFFFFC000  }
0xba: {  	[spmem:s1] =	stream.indirect.scatter.add.f32 [tilespmem:s19], [sflag:$0x3], $0x80, s29, s18, $0xb8;
	[tilespmem:$0x1E800] =	vst v63  }
0xbb: {  	_ =	swait.ge [sflag:s16], $0x4000  }
0xbc: {  	[sflag:s16] =	ssyncset.done $0x0  }
0xbd: {  	[sflag:s16] =	ssyncadd.s32 $0xFFFFC000  }
0xbe: {  	[tilespmem:s19], [sflag:$0x2] =	stream.indirect.gather [hbm4b:s4+s18], $0x80, s22, s18, $0xb8;
	[tilespmem:$0x1E800] =	vst v63  }
0xbf: {  	_ =	swait.ge [sflag:s20], $0x4000  }
0xc0: {  	[sflag:s20] =	ssyncset.done $0x0  }
0xc1: {  	[sflag:s20] =	ssyncadd.s32 $0xFFFFC000  }
0xc2: {  	[spmem:s1] =	stream.indirect.scatter.add.f32 [tilespmem:s15], [sflag:$0x3], $0x80, s23, s18, $0xb8;
	[tilespmem:$0x1E800] =	vst v63  }
0xc3: {  	_ =	swait.ge [sflag:s16], $0x4000  }
0xc4: {  	[sflag:s16] =	ssyncset.done $0x0  }
0xc5: {  	[sflag:s16] =	ssyncadd.s32 $0xFFFFC000  }
0xc6: {  	_ =	swait.ge [sflag:s21], $0x4000  }
0xc7: {  	[sflag:s21] =	ssyncset.done $0x0  }
0xc8: {  	[sflag:s21] =	ssyncadd.s32 $0xFFFFC000  }
0xc9: {  	[spmem:s1] =	stream.indirect.scatter.add.f32 [tilespmem:s19], [sflag:$0x3], $0x80, s25, s18, $0xb8;
	[tilespmem:$0x1E800] =	vst v63  }
0xca: {  	_ =	swait.ge [sflag:s16], $0x4000  }
0xcb: {  	s2 =	sadd.s32 $0x1, s2;
	s30 =	sshll.u32 s3, $0x6;
	[sflag:s16] =	ssyncset.done $0x0  }
0xcc: {  	p0 =	sne.s32 s2, s6;
	s26 =	sor.u32 $0x1C03, s30;
	[sflag:s16] =	ssyncadd.s32 $0xFFFFC000  }
.Ltmp3:
0xcd: {  	s31 =	sshrl.u32 s5, $0x3;
	[bflag:$0x0] =	sbarrier.arrive $0xFFFF;
	(pc) =	sbr.rel @p0 .LBB2_1-.Ltmp3, $4  }
0xce: {  	[hbm:s24], [sflag:s26] =	dma.local [spmem:s31], $0x2800  }
0xcf: {  	_ =	swait.ge [sflag:s16], $0x2800  }
0xd0: {  	[sflag:s16] =	ssyncset.done $0x0  }
0xd1: {  	[sflag:s16] =	ssyncadd.s32 $0xFFFFD800  }
0xd2: {  	_ =	sfence.sel $0x180000  }
0xd3: {  	[bflag:$0x0] =	sbarrier.arrive $0xFFFF  }
0xd4: {  	p0 =	sne.s32 s3, $0x0;
	_ =	strace $0x9000004A  }
0xd5: {  	s0 =	sadd.s32 @!p0 $0x100000, s0;
	[bflag:$0x2] =	sbarrier.arrive $0xFFFF  }
0xd6: {  	[sflag:s0] =	ssyncadd.tile.s32 @!p0 $0x1;
	_ =	shalt  }
.Lfunc_end2:
_tile_overlayer_lowered:
.L_overlay_start_2:
0xd7: {  	(tag) =	ssettag $0x2  }
0xd8: {  	s0 =	rddreg [dreg:$0x0];
	s2 =	stileid.u32  }
0xd9: {  	s1 =	rddreg [dreg:$0x1];
	p0 =	sne.s32 s2, $0x0  }
0xda: {  	s3 =	rddreg [dreg:$0x2];
	[bflag:$0x3] =	sbarrier.arrive $0xFFFF;
	s2 =	simm.s32 @!p0 $0x1C03  }
0xdb: {  	[timem:s3], [sflag:s2] =	dma.local @!p0 [hbm:s0], s1  }
0xdc: {  	s0 =	simm.s32 @!p0 $0x3  }
0xdd: {  	_ =	swait.ge @!p0 [sflag:s0], s1  }
0xde: {  	s1 =	ssub.s32 @!p0 $0x0, s1;
	[sflag:s0] =	ssyncset.done @!p0 $0x0  }
0xdf: {  	[sflag:s0] =	ssyncadd.s32 @!p0 s1  }
0xe0: {  	[bflag:$0x3] =	sbarrier.arrive $0xFFFF  }
0xe1: {  	_ =	shalt  }

// kernel: kernel.14.cloned.1.call-start
scs
__scs_entry_jumppad:
0x0: {  	(pc) =	sbr.rel $0x88, $3  }
0x1: {  	(tag) =	ssettag $0x0;
	lr =	simm.s32 $0x1  }
0x2: {  	[smem:$0x3F9D] =	sst lr;
	_ =	strace $0xD0000000  }
0x3: {  	_ = 	snop  }
0x4: {  	_ = 	snop  }
0x5: {  	_ = 	snop  }
0x6: {  	_ = 	snop  }
0x7: {  	_ = 	snop  }
__scs_overlays_trampoline_lowered:
0x8: {  	[smem:$0x3FAC] =	sst s0  }
0x9: {  	[smem:$0x3FAD] =	sst s1  }
0xa: {  	[smem:$0x3FAE] =	sst s2  }
0xb: {  	[smem:$0x3FAF] =	sst s3  }
0xc: {  	[smem:$0x3FB0] =	sst s4  }
0xd: {  	[smem:$0x3FB1] =	sst s5  }
0xe: {  	[smem:$0x3FB2] =	sst s6  }
0xf: {  	[smem:$0x3FB3] =	sst s7  }
0x10: {  	[smem:$0x3FB4] =	sst s8  }
0x11: {  	[smem:$0x3FB5] =	sst s9;
	s0 =	simm.s32 @!p0 $0x0  }
0x12: {  	s1 =	sld [smem:$0x3F9B];
	s0 =	simm.s32 @p0 $0x1  }
0x13: {  	[smem:$0x3FB6] =	sst s0;
	s0 =	simm.s32 @!p1 $0x0  }
0x14: {  	s2 =	sld [smem:$0x3F9A];
	s0 =	simm.s32 @p1 $0x1  }
0x15: {  	[smem:$0x3FB7] =	sst s0;
	s0 =	simm.s32 @!p2 $0x0  }
0x16: {  	s3 =	sld [smem:$0x3FDB];
	s0 =	simm.s32 @p2 $0x1  }
0x17: {  	s4 =	simm.s32 $0x1BF5;
	[smem:$0x3FB9] =	sst s0  }
0x18: {  	s0 =	sld [smem:$0x3F9C];
	_ =	swait.ge [sflag:s4], $0x0  }
0x19: {  	s7 =	sld [smem:$0x3F9D]  }
0x1a: {  	s8 =	sadd.s32 $0xFFFFE003, lr  }
0x1b: {  	s9 =	sadd.s32 $0xFFFFFEF7, lr;
	s5 =	simm.s32 $0xFFFFFFFF;
	p2 =	slt.u32 s8, $0xFFFFF086  }
0x1c: {  	p1 =	slt.u32 s9, $0xF7A;
	s5 =	simm.s32 @!p2 $0x0  }
0x1d: {  	s5 =	simm.s32 @p1 $0x1;
	p0 =	seq.s32 s7, s2  }
0x1e: {  	s7 =	smul.u32 @!p0 $0xF7A, s2;
	p2 =	seq.s32 @!p0 s5, $0x0  }
0x1f: {  	s9 =	smul.u32 $0xF7A, s1;
	s8 =	simm.s32 @!p0 $0x1BF5;
	p2 =	por !p2, p0  }
0x20: {  	[sflag:s8] =	ssyncset.s32 @!p0 $0xFFFFF086;
	s6 =	sadd.s32 @!p0 s3, s7;
	s7 =	simm.s32 @!p0 $0x108  }
0x21: {  	s3 =	sadd.s32 s3, s9;
	s6 =	sadd.s32 @!p0 $0x88, s6;
	s7 =	simm.s32 @p2 $0x1082  }
0x22: {  	[simem:s7], [sflag:s8] =	dma.local @!p0 [hbm:s6], $0xF7A  }
0x23: {  	s9 =	sor.u32 $0xD0000000, s2;
	s6 =	simm.s32 $0x108;
	_ =	swait.ge @!p0 [sflag:s8], $0x0  }
0x24: {  	s3 =	sadd.s32 $0x88, s3;
	s6 =	simm.s32 @!p1 $0x1082;
	[sflag:s4] =	ssyncset.s32 $0xFFFFF086  }
0x25: {  	[simem:s6], [sflag:s4] =	dma.local [hbm:s3], $0xF7A  }
0x26: {  	[smem:$0x3F9D] =	sst s1;
	(tag) =	ssettag s2;
	_ =	strace s9  }
0x27: {  	s1 =	sld [smem:$0x3FAD]  }
0x28: {  	s2 =	sld [smem:$0x3FAE]  }
0x29: {  	s4 =	sld [smem:$0x3FB0]  }
0x2a: {  	p0 =	seq.s32 s5, $0x0;
	s5 =	sld [smem:$0x3FB1]  }
0x2b: {  	s6 =	sld [smem:$0x3FB2]  }
0x2c: {  	s7 =	sld [smem:$0x3FB3]  }
0x2d: {  	s3 =	simm.s32 $0x108;
	s8 =	sld [smem:$0x3FB4]  }
0x2e: {  	s3 =	simm.s32 @!p0 $0x1082;
	s9 =	sld [smem:$0x3FB5]  }
0x2f: {  	lr =	sadd.s32 s0, s3;
	s0 =	sld [smem:$0x3FAC]  }
0x30: {  	s3 =	sld [smem:$0x3FAF]  }
0x31: {  	[smem:$0x3FB8] =	sst s10  }
0x32: {  	s10 =	sld [smem:$0x3FB6];
	_ =	sdelay $0x3  }
0x33: {  	p0 =	seq.s32 s10, $0x1;
	s10 =	sld [smem:$0x3FB8];
	_ =	sdelay $0x3  }
0x34: {  	[smem:$0x3FB8] =	sst s10  }
0x35: {  	s10 =	sld [smem:$0x3FB7];
	_ =	sdelay $0x3  }
0x36: {  	p1 =	seq.s32 s10, $0x1;
	s10 =	sld [smem:$0x3FB8];
	_ =	sdelay $0x3  }
0x37: {  	[smem:$0x3FB8] =	sst s10  }
0x38: {  	s10 =	sld [smem:$0x3FB9]  }
0x39: {  	_ = 	snop;
	(pc) =	sbr.ind lr, $3  }
0x3a: {  	_ = 	snop  }
0x3b: {  	_ = 	snop  }
0x3c: {  	p2 =	seq.s32 s10, $0x1;
	s10 =	sld [smem:$0x3FB8]  }
0x3d: {  	_ =	shalt  }
0x3e: {  	_ =	shalt  }
0x3f: {  	_ =	shalt  }
0x40: {  	_ =	shalt  }
0x41: {  	_ =	shalt  }
0x42: {  	_ =	shalt  }
0x43: {  	_ =	shalt  }
0x44: {  	_ =	shalt  }
0x45: {  	_ =	shalt  }
0x46: {  	_ =	shalt  }
0x47: {  	_ =	shalt  }
0x48: {  	_ =	shalt  }
0x49: {  	_ =	shalt  }
0x4a: {  	_ =	shalt  }
0x4b: {  	_ =	shalt  }
0x4c: {  	_ =	shalt  }
0x4d: {  	_ =	shalt  }
0x4e: {  	_ =	shalt  }
0x4f: {  	_ =	shalt  }
0x50: {  	_ =	shalt  }
0x51: {  	_ =	shalt  }
0x52: {  	_ =	shalt  }
0x53: {  	_ =	shalt  }
0x54: {  	_ =	shalt  }
0x55: {  	_ =	shalt  }
0x56: {  	_ =	shalt  }
0x57: {  	_ =	shalt  }
0x58: {  	_ =	shalt  }
0x59: {  	_ =	shalt  }
0x5a: {  	_ =	shalt  }
0x5b: {  	_ =	shalt  }
0x5c: {  	_ =	shalt  }
0x5d: {  	_ =	shalt  }
0x5e: {  	_ =	shalt  }
0x5f: {  	_ =	shalt  }
0x60: {  	_ =	shalt  }
0x61: {  	_ =	shalt  }
0x62: {  	_ =	shalt  }
0x63: {  	_ =	shalt  }
0x64: {  	_ =	shalt  }
0x65: {  	_ =	shalt  }
0x66: {  	_ =	shalt  }
0x67: {  	_ =	shalt  }
0x68: {  	_ =	shalt  }
0x69: {  	_ =	shalt  }
0x6a: {  	_ =	shalt  }
0x6b: {  	_ =	shalt  }
0x6c: {  	_ =	shalt  }
0x6d: {  	_ =	shalt  }
0x6e: {  	_ =	shalt  }
0x6f: {  	_ =	shalt  }
0x70: {  	_ =	shalt  }
0x71: {  	_ =	shalt  }
0x72: {  	_ =	shalt  }
0x73: {  	_ =	shalt  }
0x74: {  	_ =	shalt  }
0x75: {  	_ =	shalt  }
0x76: {  	_ =	shalt  }
0x77: {  	_ =	shalt  }
0x78: {  	_ =	shalt  }
0x79: {  	_ =	shalt  }
0x7a: {  	_ =	shalt  }
0x7b: {  	_ =	shalt  }
0x7c: {  	_ =	shalt  }
0x7d: {  	_ =	shalt  }
0x7e: {  	_ =	shalt  }
0x7f: {  	_ =	shalt  }
0x80: {  	_ =	shalt  }
0x81: {  	_ =	shalt  }
0x82: {  	_ =	shalt  }
0x83: {  	_ =	shalt  }
0x84: {  	_ =	shalt  }
0x85: {  	_ =	shalt  }
0x86: {  	_ =	shalt  }
0x87: {  	_ =	shalt  }
.Lfunc_end0:
.L_simem_size_0:
called_computation.2_lowered:
.L_overlay_start_0:
0x88: {  	s2 =	sld [smem:$0x3FD9]  }
0x89: {  	s3 =	sld [smem:$0x3FFE];
	_ =	sdelay $0x1  }
0x8a: {  	s1 =	srdreg.scid  }
0x8b: {  	s0 =	sand.u32 $0x1, s1  }
0x8c: {  	s17 =	sshll.u32 s0, $0xA;
	s2 =	sadd.s32 s3, s2  }
0x8d: {  	s2 =	sadd.s32 s2, s17  }
0x8e: {  	[smem:$0x3FC4] =	sst s2  }
0x8f: {  	_ = 	snop  }
0x90: {  	s2 =	sld [smem:$0x3FD0];
	(tm) =	ssettm $0x1  }
0x91: {  	s18 =	sld [smem:$0x3FFB];
	_ =	sdelay $0x3  }
0x92: {  	_ =	strace s18  }
0x93: {  	s3 =	sld [smem:$0x3FFC];
	_ =	sdelay $0x3  }
0x94: {  	_ =	strace s3  }
0x95: {  	s3 =	sld [smem:$0x3FFD];
	_ =	sdelay $0x3  }
0x96: {  	_ =	strace s3  }
0x97: {  	_ =	strace $0x8FFFFFFF  }
0x98: {  	s19 =	sld [smem:$0x3FDB];
	_ =	sdelay $0x1  }
0x99: {  	s4 =	simm.s32 $_scs_section_size  }
0x9a: {  	s5 =	simm.s32 $_size__tile_overlayer_lowered;
	s6 =	simm.s32 $_tile_overlayer_lowered  }
0x9b: {  	s22 =	simm.s32 $0x1BFF;
	s21 =	sshll.u32 s6, $0x1;
	s3 =	sadd.s32 s4, s19  }
0x9c: {  	s7 =	simm.s32 $0x0;
	s20 =	sshll.u32 s5, $0x1;
	s5 =	sadd.s32 s21, s3  }
0x9d: {  	[timem:s7], [sflag:s22] =	dma.local [hbm:s5], s20  }
0x9e: {  	_ =	swait.ge [sflag:s22], s20  }
0x9f: {  	s4 =	ssub.s32 $0x0, s20;
	[sflag:s22] =	ssyncset.done $0x0  }
0xa0: {  	[sflag:s22] =	ssyncadd.s32 s4;
	_ =	sdelay $0x1  }
0xa1: {  	s23 =	simm.s32 $0x1B8B  }
0xa2: {  	_ =	swait.ge [sflag:s23], $0x1  }
0xa3: {  	[sflag:s23] =	ssyncset.done $0x0  }
0xa4: {  	s25 =	simm.s32 $0x1B8E;
	s24 =	sld [smem:$0x3FFE];
	[sflag:s23] =	ssyncadd.s32 $0xFFFFFFFF  }
0xa5: {  	s26 =	simm.s32 $execute0_lowered;
	[smem:$0x3FD2] =	sst s25  }
0xa6: {  	s5 =	sshll.u32 s26, $0x1;
	_ =	strace $0x8000004C;
	[dreg:$0x1] =	wrdreg $0xFFFFFFFF  }
0xa7: {  	s28 =	simm.s32 $_size_execute0_lowered;
	s3 =	sadd.s32 s3, s5;
	[dreg:$0x0] =	wrdreg $0x0  }
0xa8: {  	s5 =	sshll.u32 s28, $0x1;
	[dreg:$0x2] =	wrdreg s3  }
0xa9: {  	[dreg:$0x3] =	wrdreg s5  }
0xaa: {  	[dreg:$0x4] =	wrdreg $0xC0  }
0xab: {  	_ =	task [dreg:s7], $0x5FFFF  }
0xac: {  	[dreg:$0x1] =	wrdreg $0xFFFFFFFF  }
0xad: {  	[dreg:$0x0] =	wrdreg $0x60  }
0xae: {  	[dreg:$0x2] =	wrdreg s24  }
0xaf: {  	[dreg:$0x3] =	wrdreg s2  }
0xb0: {  	[dreg:$0x4] =	wrdreg $0xA8000  }
0xb1: {  	[dreg:$0x5] =	wrdreg $0x9  }
0xb2: {  	_ =	task.clear_ibuf [dreg:s7], $0x6FFFF;
	_ =	strace $0x9000004C  }
0xb3: {  	s29 =	simm.s32 $0x9;
	_ =	strace $0x8000004E  }
0xb4: {  	_ =	swait.ge [sflag:s29], $0x1  }
0xb5: {  	[sflag:s29] =	ssyncadd.s32 $0xFFFFFFFF  }
0xb6: {  	_ =	strace $0x9000004E  }
0xb7: {  	_ =	sfence  }
0xb8: {  	s30 =	sld [smem:$0x0];
	_ =	sdelay $0x2  }
0xb9: {  	s31 =	sshll.u32 s1, $0xD;
	s1 =	sshrl.u32 s1, $0x2  }
0xba: {  	s3 =	sand.u32 $0x4000, s31;
	s1 =	sadd.s32 s1, s30  }
0xbb: {  	s0 =	sor.u32 s3, s0;
	s1 =	sshll.u32 s1, $0x11  }
0xbc: {  	s0 =	sor.u32 s1, s0  }
0xbd: {  	s0 =	sadd.s32 $0x8F2B, s0  }
0xbe: {  	[sflag:s0] =	ssyncadd.remote.s32 $0x1  }
0xbf: {  	_ =	sfence.sel $0xFFFF  }
0xc0: {  	[dreg:$0x0] =	wrdreg $0xFFFFFFFF;
	(pc) =	sbr.abs _section_cstart, $3  }
0xc1: {  	[dreg:$0x1] =	wrdreg $0xFFFFFFFF  }
0xc2: {  	_ =	task.clear_ibuf [dreg:s7], $0x2FFFF;
	_ =	strace $0x9FFFFFFF  }
0xc3: {  	(tm) =	ssettm $0x7FFFFFFF  }
tec
execute0_lowered:
.L_overlay_start_1:
0x0: {  	(tag) =	ssettag $0x1  }
0x1: {  	s5 =	rddreg [dreg:$0x0]  }
0x2: {  	s13 =	rddreg [dreg:$0x1]  }
0x3: {  	s1 =	rddreg [dreg:$0x2]  }
0x4: {  	s0 =	rddreg [dreg:$0x3]  }
0x5: {  	s2 =	simm.s32 $0x0;
	s3 =	srdreg.scid;
	s16 =	simm.s32 $0x3  }
0x6: {  	s17 =	simm.s32 $0x1400;
	s18 =	simm.s32 $0x80;
	s19 =	simm.s32 $0x6800  }
0x7: {  	s20 =	simm.s32 $0x1;
	s21 =	simm.s32 $0x2;
	s22 =	simm.s32 $0x1380  }
0x8: {  	s23 =	simm.s32 $0x2700;
	[smem:$0x7FF] =	sst s2;
	s6 =	sand.u32 $0x1, s3  }
0x9: {  	s4 =	sadd.s32 $0xBE00, s5;
	s3 =	stileid.u32;
	s7 =	smul.u32 $0x28000, s6  }
0xa: {  	s14 =	sadd.s32 $0x1E00, s5;
	_ =	strace $0x8000004D;
	s10 =	smul.u32 $0x50000, s3  }
0xb: {  	s8 =	ssub.s32 $0x2, s6;
	s30 =	sshll.u32 s6, $0x4;
	s24 =	smul.u32 $0x2800, s3  }
0xc: {  	s9 =	sshrl.u32 s8, $0x1;
	s6 =	sor.u32 s3, s30;
	s7 =	sadd.s32 s7, s5  }
0xd: {  	s8 =	ssub.s32 s8, s9;
	s31 =	sshrl.u32 s10, $0x2;
	s12 =	smul.u32 $0x500, s6  }
0xe: {  	s5 =	sadd.s32 s31, s1;
	s25 =	sadd.s32 $0x33E00, s7;
	s6 =	smax.u32 s8, $0x1  }
0xf: {  	s7 =	sadd.s32 $0x4000, s5;
	s8 =	sadd.s32 $0x8000, s5;
	s9 =	sadd.s32 $0xC000, s5  }
0x10: {  	s10 =	sadd.s32 $0x10000, s5;
	s15 =	sadd.s32 $0x280, s12;
	s11 =	sadd.s32 s13, s12  }
0x11: {  	s12 =	sadd.s32 s14, s12;
	s24 =	sadd.s32 s24, s25;
	s25 =	simm.s32 $0x2780  }
0x12: {  	v0 =	vimm.f32 $0.0e+00;
	s13 =	sadd.s32 s13, s15;
	s14 =	sadd.s32 s14, s15;
	s15 =	simm.s32 $0x2800  }
.LBB2_1:
0x13: {  	s26 =	simm.s32 $0x0;
	s28 =	simm.s32 $0x200  }
.LBB2_2:
0x14: {  	p0 =	sne.s32 s28, $0xFE00;
	[tilespmem:s26+$0x2870] =	vst v0  }
0x15: {  	[tilespmem:s26+$0x2800] =	vst v0  }
0x16: {  	[tilespmem:s26+$0x2810] =	vst v0  }
.Ltmp0:
0x17: {  	[tilespmem:s26+$0x2820] =	vst v0;
	(pc) =	sbr.rel @p0 .LBB2_2-.Ltmp0, $4  }
0x18: {  	[tilespmem:s26+$0x2830] =	vst v0  }
0x19: {  	[tilespmem:s26+$0x2840] =	vst v0  }
0x1a: {  	[tilespmem:s26+$0x2850] =	vst v0  }
0x1b: {  	[tilespmem:s26+$0x2860] =	vst v0;
	s26 =	sshra.s32 s28, $0x2;
	s28 =	sadd.s32 $0x200, s28  }
0x1c: {  	[tilespmem:s26+$0x2870] =	vst v0  }
0x1d: {  	[tilespmem:s26+$0x2800] =	vst v0  }
0x1e: {  	[tilespmem:s26+$0x2810] =	vst v0  }
0x1f: {  	[tilespmem:s26+$0x2820] =	vst v0  }
0x20: {  	[tilespmem:s26+$0x2830] =	vst v0  }
0x21: {  	[tilespmem:s26+$0x2840] =	vst v0  }
0x22: {  	[tilespmem:s26+$0x2850] =	vst v0  }
0x23: {  	[tilespmem:s26+$0x2860] =	vst v0  }
0x24: {  	[spmem:s5] =	stream.linear.scatter [tilespmem:s15], [sflag:$0x3], $0x4000, $0x38;
	[tilespmem:$0x1E800] =	vst v63  }
0x25: {  	_ =	swait.ge [sflag:s16], $0x4000  }
0x26: {  	[sflag:s16] =	ssyncset.done $0x0  }
0x27: {  	[sflag:s16] =	ssyncadd.s32 $0xFFFFC000  }
0x28: {  	[spmem:s7] =	stream.linear.scatter [tilespmem:s15], [sflag:$0x3], $0x4000, $0x38;
	[tilespmem:$0x1E800] =	vst v63  }
0x29: {  	_ =	swait.ge [sflag:s16], $0x4000  }
0x2a: {  	[sflag:s16] =	ssyncset.done $0x0  }
0x2b: {  	[sflag:s16] =	ssyncadd.s32 $0xFFFFC000  }
0x2c: {  	[spmem:s8] =	stream.linear.scatter [tilespmem:s15], [sflag:$0x3], $0x4000, $0x38;
	[tilespmem:$0x1E800] =	vst v63  }
0x2d: {  	_ =	swait.ge [sflag:s16], $0x4000  }
0x2e: {  	[sflag:s16] =	ssyncset.done $0x0  }
0x2f: {  	[sflag:s16] =	ssyncadd.s32 $0xFFFFC000  }
0x30: {  	[spmem:s9] =	stream.linear.scatter [tilespmem:s15], [sflag:$0x3], $0x4000, $0x38;
	[tilespmem:$0x1E800] =	vst v63  }
0x31: {  	_ =	swait.ge [sflag:s16], $0x4000  }
0x32: {  	[sflag:s16] =	ssyncset.done $0x0  }
0x33: {  	[sflag:s16] =	ssyncadd.s32 $0xFFFFC000  }
0x34: {  	[spmem:s10] =	stream.linear.scatter [tilespmem:s15], [sflag:$0x3], $0x4000, $0x38;
	[tilespmem:$0x1E800] =	vst v63  }
0x35: {  	_ =	swait.ge [sflag:s16], $0x4000  }
0x36: {  	[sflag:s16] =	ssyncset.done $0x0  }
0x37: {  	[sflag:s16] =	ssyncadd.s32 $0xFFFFC000  }
0x38: {  	s30 =	simm.s32 $0x0;
	[bflag:$0x0] =	sbarrier.arrive $0xFFFF  }
0x39: {  	[tilespmem:s30], [sflag:$0x3] =	stream.linear.gather [hbm4b:s11+s30], $0x1400, $0x38;
	[tilespmem:$0x1E800] =	vst v63  }
0x3a: {  	_ =	swait.ge [sflag:s16], $0x1400  }
0x3b: {  	[sflag:s16] =	ssyncset.done $0x0  }
0x3c: {  	[sflag:s16] =	ssyncadd.s32 $0xFFFFEC00  }
0x3d: {  	[tilespmem:s17], [sflag:$0x3] =	stream.linear.gather [hbm4b:s12+s30], $0x1400, $0x38;
	[tilespmem:$0x1E800] =	vst v63  }
0x3e: {  	_ =	swait.ge [sflag:s16], $0x1400  }
0x3f: {  	[sflag:s16] =	ssyncset.done $0x0  }
0x40: {  	[sflag:s16] =	ssyncadd.s32 $0xFFFFEC00  }
0x41: {  	[tilespmem:s15], [sflag:$0x1] =	stream.indirect.gather [hbm4b:s4+s18], $0x80, s30, s18, $0xb8;
	[tilespmem:$0x1E800] =	vst v63  }
0x42: {  	s31 =	simm.s32 $0x80  }
0x43: {  	[tilespmem:s19], [sflag:$0x2] =	stream.indirect.gather [hbm4b:s4+s18], $0x80, s31, s18, $0xb8;
	[tilespmem:$0x1E800] =	vst v63  }
0x44: {  	_ =	swait.ge [sflag:s20], $0x4000  }
0x45: {  	[sflag:s20] =	ssyncset.done $0x0  }
0x46: {  	s29 =	simm.s32 $0x1400;
	[sflag:s20] =	ssyncadd.s32 $0xFFFFC000  }
0x47: {  	[spmem:s1] =	stream.indirect.scatter.add.f32 [tilespmem:s15], [sflag:$0x3], $0x80, s29, s18, $0xb8;
	[tilespmem:$0x1E800] =	vst v63  }
0x48: {  	_ =	swait.ge [sflag:s16], $0x4000  }
0x49: {  	[sflag:s16] =	ssyncset.done $0x0  }
0x4a: {  	s30 =	simm.s32 $0x100;
	[sflag:s16] =	ssyncadd.s32 $0xFFFFC000  }
0x4b: {  	[tilespmem:s15], [sflag:$0x1] =	stream.indirect.gather [hbm4b:s4+s18], $0x80, s30, s18, $0xb8;
	[tilespmem:$0x1E800] =	vst v63  }
0x4c: {  	_ =	swait.ge [sflag:s21], $0x4000  }
0x4d: {  	[sflag:s21] =	ssyncset.done $0x0  }
0x4e: {  	s31 =	simm.s32 $0x1480;
	[sflag:s21] =	ssyncadd.s32 $0xFFFFC000  }
0x4f: {  	[spmem:s1] =	stream.indirect.scatter.add.f32 [tilespmem:s19], [sflag:$0x3], $0x80, s31, s18, $0xb8;
	[tilespmem:$0x1E800] =	vst v63  }
0x50: {  	_ =	swait.ge [sflag:s16], $0x4000  }
0x51: {  	s28 =	simm.s32 $0x800;
	s26 =	simm.s32 $0x100;
	[sflag:s16] =	ssyncset.done $0x0  }
.LBB2_4:
0x52: {  	s29 =	sadd.s32 $0x80, s26  }
0x53: {  	[sflag:s16] =	ssyncadd.s32 $0xFFFFC000;
	s30 =	smov.u32 s28;
	s31 =	sadd.s32 $0x400, s28  }
0x54: {  	[tilespmem:s19], [sflag:$0x2] =	stream.indirect.gather [hbm4b:s4+s18], $0x80, s29, s18, $0xb8;
	[tilespmem:$0x1E800] =	vst v63  }
0x55: {  	p0 =	sne.s32 s28, $0x4800;
	_ =	swait.ge [sflag:s20], $0x4000  }
0x56: {  	[sflag:s20] =	ssyncset.done $0x0  }
0x57: {  	s28 =	sadd.s32 $0x1400, s26;
	[sflag:s20] =	ssyncadd.s32 $0xFFFFC000  }
0x58: {  	[spmem:s1] =	stream.indirect.scatter.add.f32 [tilespmem:s15], [sflag:$0x3], $0x80, s28, s18, $0xb8;
	[tilespmem:$0x1E800] =	vst v63  }
0x59: {  	_ =	swait.ge [sflag:s16], $0x4000  }
0x5a: {  	[sflag:s16] =	ssyncset.done $0x0  }
0x5b: {  	s28 =	sadd.s32 $0x100, s26;
	[sflag:s16] =	ssyncadd.s32 $0xFFFFC000  }
0x5c: {  	[tilespmem:s15], [sflag:$0x1] =	stream.indirect.gather [hbm4b:s4+s18], $0x80, s28, s18, $0xb8;
	[tilespmem:$0x1E800] =	vst v63  }
0x5d: {  	_ =	swait.ge [sflag:s21], $0x4000  }
.Ltmp1:
0x5e: {  	[sflag:s21] =	ssyncset.done $0x0;
	(pc) =	sbr.rel @p0 .LBB2_4-.Ltmp1, $4  }
0x5f: {  	s26 =	sadd.s32 $0x1480, s26;
	[sflag:s21] =	ssyncadd.s32 $0xFFFFC000  }
0x60: {  	[spmem:s1] =	stream.indirect.scatter.add.f32 [tilespmem:s19], [sflag:$0x3], $0x80, s26, s18, $0xb8;
	[tilespmem:$0x1E800] =	vst v63  }
0x61: {  	_ =	swait.ge [sflag:s16], $0x4000  }
0x62: {  	s28 =	smov.u32 s31;
	s26 =	sshra.s32 s30, $0x2;
	[sflag:s16] =	ssyncset.done $0x0  }
0x63: {  	s28 =	sadd.s32 $0x80, s26;
	[sflag:s16] =	ssyncadd.s32 $0xFFFFC000  }
0x64: {  	[tilespmem:s19], [sflag:$0x2] =	stream.indirect.gather [hbm4b:s4+s18], $0x80, s28, s18, $0xb8;
	[tilespmem:$0x1E800] =	vst v63  }
0x65: {  	_ =	swait.ge [sflag:s20], $0x4000  }
0x66: {  	[sflag:s20] =	ssyncset.done $0x0  }
0x67: {  	s28 =	sadd.s32 $0x1400, s26;
	[sflag:s20] =	ssyncadd.s32 $0xFFFFC000  }
0x68: {  	[spmem:s1] =	stream.indirect.scatter.add.f32 [tilespmem:s15], [sflag:$0x3], $0x80, s28, s18, $0xb8;
	[tilespmem:$0x1E800] =	vst v63  }
0x69: {  	_ =	swait.ge [sflag:s16], $0x4000  }
0x6a: {  	[sflag:s16] =	ssyncset.done $0x0  }
0x6b: {  	s28 =	sadd.s32 $0x100, s26;
	[sflag:s16] =	ssyncadd.s32 $0xFFFFC000  }
0x6c: {  	[tilespmem:s15], [sflag:$0x1] =	stream.indirect.gather [hbm4b:s4+s18], $0x80, s28, s18, $0xb8;
	[tilespmem:$0x1E800] =	vst v63  }
0x6d: {  	_ =	swait.ge [sflag:s21], $0x4000  }
0x6e: {  	[sflag:s21] =	ssyncset.done $0x0  }
0x6f: {  	s29 =	sadd.s32 $0x1480, s26;
	[sflag:s21] =	ssyncadd.s32 $0xFFFFC000  }
0x70: {  	[spmem:s1] =	stream.indirect.scatter.add.f32 [tilespmem:s19], [sflag:$0x3], $0x80, s29, s18, $0xb8;
	[tilespmem:$0x1E800] =	vst v63  }
0x71: {  	_ =	swait.ge [sflag:s16], $0x4000  }
0x72: {  	[sflag:s16] =	ssyncset.done $0x0  }
0x73: {  	[sflag:s16] =	ssyncadd.s32 $0xFFFFC000  }
0x74: {  	[tilespmem:s19], [sflag:$0x2] =	stream.indirect.gather [hbm4b:s4+s18], $0x80, s22, s18, $0xb8;
	[tilespmem:$0x1E800] =	vst v63  }
0x75: {  	_ =	swait.ge [sflag:s20], $0x4000  }
0x76: {  	[sflag:s20] =	ssyncset.done $0x0  }
0x77: {  	[sflag:s20] =	ssyncadd.s32 $0xFFFFC000  }
0x78: {  	[spmem:s1] =	stream.indirect.scatter.add.f32 [tilespmem:s15], [sflag:$0x3], $0x80, s23, s18, $0xb8;
	[tilespmem:$0x1E800] =	vst v63  }
0x79: {  	_ =	swait.ge [sflag:s16], $0x4000  }
0x7a: {  	[sflag:s16] =	ssyncset.done $0x0  }
0x7b: {  	[sflag:s16] =	ssyncadd.s32 $0xFFFFC000  }
0x7c: {  	_ =	swait.ge [sflag:s21], $0x4000  }
0x7d: {  	[sflag:s21] =	ssyncset.done $0x0  }
0x7e: {  	[sflag:s21] =	ssyncadd.s32 $0xFFFFC000  }
0x7f: {  	[spmem:s1] =	stream.indirect.scatter.add.f32 [tilespmem:s19], [sflag:$0x3], $0x80, s25, s18, $0xb8;
	[tilespmem:$0x1E800] =	vst v63  }
0x80: {  	_ =	swait.ge [sflag:s16], $0x4000  }
0x81: {  	[sflag:s16] =	ssyncset.done $0x0  }
0x82: {  	s30 =	simm.s32 $0x0;
	[sflag:s16] =	ssyncadd.s32 $0xFFFFC000  }
0x83: {  	[tilespmem:s30], [sflag:$0x3] =	stream.linear.gather [hbm4b:s13+s30], $0x1400, $0x38;
	[tilespmem:$0x1E800] =	vst v63  }
0x84: {  	_ =	swait.ge [sflag:s16], $0x1400  }
0x85: {  	[sflag:s16] =	ssyncset.done $0x0  }
0x86: {  	[sflag:s16] =	ssyncadd.s32 $0xFFFFEC00  }
0x87: {  	[tilespmem:s17], [sflag:$0x3] =	stream.linear.gather [hbm4b:s14+s30], $0x1400, $0x38;
	[tilespmem:$0x1E800] =	vst v63  }
0x88: {  	_ =	swait.ge [sflag:s16], $0x1400  }
0x89: {  	[sflag:s16] =	ssyncset.done $0x0  }
0x8a: {  	[sflag:s16] =	ssyncadd.s32 $0xFFFFEC00  }
0x8b: {  	[tilespmem:s15], [sflag:$0x1] =	stream.indirect.gather [hbm4b:s4+s18], $0x80, s30, s18, $0xb8;
	[tilespmem:$0x1E800] =	vst v63  }
0x8c: {  	s31 =	simm.s32 $0x80  }
0x8d: {  	[tilespmem:s19], [sflag:$0x2] =	stream.indirect.gather [hbm4b:s4+s18], $0x80, s31, s18, $0xb8;
	[tilespmem:$0x1E800] =	vst v63  }
0x8e: {  	_ =	swait.ge [sflag:s20], $0x4000  }
0x8f: {  	[sflag:s20] =	ssyncset.done $0x0  }
0x90: {  	s29 =	simm.s32 $0x1400;
	[sflag:s20] =	ssyncadd.s32 $0xFFFFC000  }
0x91: {  	[spmem:s1] =	stream.indirect.scatter.add.f32 [tilespmem:s15], [sflag:$0x3], $0x80, s29, s18, $0xb8;
	[tilespmem:$0x1E800] =	vst v63  }
0x92: {  	_ =	swait.ge [sflag:s16], $0x4000  }
0x93: {  	[sflag:s16] =	ssyncset.done $0x0  }
0x94: {  	s30 =	simm.s32 $0x100;
	[sflag:s16] =	ssyncadd.s32 $0xFFFFC000  }
0x95: {  	[tilespmem:s15], [sflag:$0x1] =	stream.indirect.gather [hbm4b:s4+s18], $0x80, s30, s18, $0xb8;
	[tilespmem:$0x1E800] =	vst v63  }
0x96: {  	_ =	swait.ge [sflag:s21], $0x4000  }
0x97: {  	[sflag:s21] =	ssyncset.done $0x0  }
0x98: {  	s31 =	simm.s32 $0x1480;
	[sflag:s21] =	ssyncadd.s32 $0xFFFFC000  }
0x99: {  	[spmem:s1] =	stream.indirect.scatter.add.f32 [tilespmem:s19], [sflag:$0x3], $0x80, s31, s18, $0xb8;
	[tilespmem:$0x1E800] =	vst v63  }
0x9a: {  	_ =	swait.ge [sflag:s16], $0x4000  }
0x9b: {  	s26 =	simm.s32 $0x100;
	s28 =	simm.s32 $0x800;
	[sflag:s16] =	ssyncset.done $0x0  }
.LBB2_6:
0x9c: {  	s29 =	sadd.s32 $0x80, s26  }
0x9d: {  	[sflag:s16] =	ssyncadd.s32 $0xFFFFC000;
	s30 =	smov.u32 s28;
	s31 =	sadd.s32 $0x400, s28  }
0x9e: {  	[tilespmem:s19], [sflag:$0x2] =	stream.indirect.gather [hbm4b:s4+s18], $0x80, s29, s18, $0xb8;
	[tilespmem:$0x1E800] =	vst v63  }
0x9f: {  	p0 =	sne.s32 s28, $0x4800;
	_ =	swait.ge [sflag:s20], $0x4000  }
0xa0: {  	[sflag:s20] =	ssyncset.done $0x0  }
0xa1: {  	s28 =	sadd.s32 $0x1400, s26;
	[sflag:s20] =	ssyncadd.s32 $0xFFFFC000  }
0xa2: {  	[spmem:s1] =	stream.indirect.scatter.add.f32 [tilespmem:s15], [sflag:$0x3], $0x80, s28, s18, $0xb8;
	[tilespmem:$0x1E800] =	vst v63  }
0xa3: {  	_ =	swait.ge [sflag:s16], $0x4000  }
0xa4: {  	[sflag:s16] =	ssyncset.done $0x0  }
0xa5: {  	s28 =	sadd.s32 $0x100, s26;
	[sflag:s16] =	ssyncadd.s32 $0xFFFFC000  }
0xa6: {  	[tilespmem:s15], [sflag:$0x1] =	stream.indirect.gather [hbm4b:s4+s18], $0x80, s28, s18, $0xb8;
	[tilespmem:$0x1E800] =	vst v63  }
0xa7: {  	_ =	swait.ge [sflag:s21], $0x4000  }
.Ltmp2:
0xa8: {  	[sflag:s21] =	ssyncset.done $0x0;
	(pc) =	sbr.rel @p0 .LBB2_6-.Ltmp2, $4  }
0xa9: {  	s26 =	sadd.s32 $0x1480, s26;
	[sflag:s21] =	ssyncadd.s32 $0xFFFFC000  }
0xaa: {  	[spmem:s1] =	stream.indirect.scatter.add.f32 [tilespmem:s19], [sflag:$0x3], $0x80, s26, s18, $0xb8;
	[tilespmem:$0x1E800] =	vst v63  }
0xab: {  	_ =	swait.ge [sflag:s16], $0x4000  }
0xac: {  	s28 =	smov.u32 s31;
	s26 =	sshra.s32 s30, $0x2;
	[sflag:s16] =	ssyncset.done $0x0  }
0xad: {  	s28 =	sadd.s32 $0x80, s26;
	[sflag:s16] =	ssyncadd.s32 $0xFFFFC000  }
0xae: {  	[tilespmem:s19], [sflag:$0x2] =	stream.indirect.gather [hbm4b:s4+s18], $0x80, s28, s18, $0xb8;
	[tilespmem:$0x1E800] =	vst v63  }
0xaf: {  	_ =	swait.ge [sflag:s20], $0x4000  }
0xb0: {  	[sflag:s20] =	ssyncset.done $0x0  }
0xb1: {  	s30 =	sadd.s32 $0x1400, s26;
	[sflag:s20] =	ssyncadd.s32 $0xFFFFC000  }
0xb2: {  	[spmem:s1] =	stream.indirect.scatter.add.f32 [tilespmem:s15], [sflag:$0x3], $0x80, s30, s18, $0xb8;
	[tilespmem:$0x1E800] =	vst v63  }
0xb3: {  	_ =	swait.ge [sflag:s16], $0x4000  }
0xb4: {  	[sflag:s16] =	ssyncset.done $0x0  }
0xb5: {  	s31 =	sadd.s32 $0x100, s26;
	[sflag:s16] =	ssyncadd.s32 $0xFFFFC000  }
0xb6: {  	[tilespmem:s15], [sflag:$0x1] =	stream.indirect.gather [hbm4b:s4+s18], $0x80, s31, s18, $0xb8;
	[tilespmem:$0x1E800] =	vst v63  }
0xb7: {  	_ =	swait.ge [sflag:s21], $0x4000  }
0xb8: {  	[sflag:s21] =	ssyncset.done $0x0  }
0xb9: {  	s29 =	sadd.s32 $0x1480, s26;
	[sflag:s21] =	ssyncadd.s32 $0xFFFFC000  }
0xba: {  	[spmem:s1] =	stream.indirect.scatter.add.f32 [tilespmem:s19], [sflag:$0x3], $0x80, s29, s18, $0xb8;
	[tilespmem:$0x1E800] =	vst v63  }
0xbb: {  	_ =	swait.ge [sflag:s16], $0x4000  }
0xbc: {  	[sflag:s16] =	ssyncset.done $0x0  }
0xbd: {  	[sflag:s16] =	ssyncadd.s32 $0xFFFFC000  }
0xbe: {  	[tilespmem:s19], [sflag:$0x2] =	stream.indirect.gather [hbm4b:s4+s18], $0x80, s22, s18, $0xb8;
	[tilespmem:$0x1E800] =	vst v63  }
0xbf: {  	_ =	swait.ge [sflag:s20], $0x4000  }
0xc0: {  	[sflag:s20] =	ssyncset.done $0x0  }
0xc1: {  	[sflag:s20] =	ssyncadd.s32 $0xFFFFC000  }
0xc2: {  	[spmem:s1] =	stream.indirect.scatter.add.f32 [tilespmem:s15], [sflag:$0x3], $0x80, s23, s18, $0xb8;
	[tilespmem:$0x1E800] =	vst v63  }
0xc3: {  	_ =	swait.ge [sflag:s16], $0x4000  }
0xc4: {  	[sflag:s16] =	ssyncset.done $0x0  }
0xc5: {  	[sflag:s16] =	ssyncadd.s32 $0xFFFFC000  }
0xc6: {  	_ =	swait.ge [sflag:s21], $0x4000  }
0xc7: {  	[sflag:s21] =	ssyncset.done $0x0  }
0xc8: {  	[sflag:s21] =	ssyncadd.s32 $0xFFFFC000  }
0xc9: {  	[spmem:s1] =	stream.indirect.scatter.add.f32 [tilespmem:s19], [sflag:$0x3], $0x80, s25, s18, $0xb8;
	[tilespmem:$0x1E800] =	vst v63  }
0xca: {  	_ =	swait.ge [sflag:s16], $0x4000  }
0xcb: {  	s2 =	sadd.s32 $0x1, s2;
	s30 =	sshll.u32 s3, $0x6;
	[sflag:s16] =	ssyncset.done $0x0  }
0xcc: {  	p0 =	sne.s32 s2, s6;
	s26 =	sor.u32 $0x1C03, s30;
	[sflag:s16] =	ssyncadd.s32 $0xFFFFC000  }
.Ltmp3:
0xcd: {  	s31 =	sshrl.u32 s5, $0x3;
	[bflag:$0x0] =	sbarrier.arrive $0xFFFF;
	(pc) =	sbr.rel @p0 .LBB2_1-.Ltmp3, $4  }
0xce: {  	[hbm:s24], [sflag:s26] =	dma.local [spmem:s31], $0x2800  }
0xcf: {  	_ =	swait.ge [sflag:s16], $0x2800  }
0xd0: {  	[sflag:s16] =	ssyncset.done $0x0  }
0xd1: {  	[sflag:s16] =	ssyncadd.s32 $0xFFFFD800  }
0xd2: {  	_ =	sfence.sel $0x180000  }
0xd3: {  	[bflag:$0x0] =	sbarrier.arrive $0xFFFF  }
0xd4: {  	p0 =	sne.s32 s3, $0x0;
	_ =	strace $0x9000004D  }
0xd5: {  	s0 =	sadd.s32 @!p0 $0x100000, s0;
	[bflag:$0x2] =	sbarrier.arrive $0xFFFF  }
0xd6: {  	[sflag:s0] =	ssyncadd.tile.s32 @!p0 $0x1;
	_ =	shalt  }
.Lfunc_end2:
_tile_overlayer_lowered:
.L_overlay_start_2:
0xd7: {  	(tag) =	ssettag $0x2  }
0xd8: {  	s0 =	rddreg [dreg:$0x0];
	s2 =	stileid.u32  }
0xd9: {  	s1 =	rddreg [dreg:$0x1];
	p0 =	sne.s32 s2, $0x0  }
0xda: {  	s3 =	rddreg [dreg:$0x2];
	[bflag:$0x3] =	sbarrier.arrive $0xFFFF;
	s2 =	simm.s32 @!p0 $0x1C03  }
0xdb: {  	[timem:s3], [sflag:s2] =	dma.local @!p0 [hbm:s0], s1  }
0xdc: {  	s0 =	simm.s32 @!p0 $0x3  }
0xdd: {  	_ =	swait.ge @!p0 [sflag:s0], s1  }
0xde: {  	s1 =	ssub.s32 @!p0 $0x0, s1;
	[sflag:s0] =	ssyncset.done @!p0 $0x0  }
0xdf: {  	[sflag:s0] =	ssyncadd.s32 @!p0 s1  }
0xe0: {  	[bflag:$0x3] =	sbarrier.arrive $0xFFFF  }
0xe1: {  	_ =	shalt  }

// kernel: kernel.8.cloned.1.call-start
scs
__scs_entry_jumppad:
0x0: {  	(pc) =	sbr.rel $0x88, $3  }
0x1: {  	(tag) =	ssettag $0x0;
	lr =	simm.s32 $0x1  }
0x2: {  	[smem:$0x3F9D] =	sst lr;
	_ =	strace $0xD0000000  }
0x3: {  	_ = 	snop  }
0x4: {  	_ = 	snop  }
0x5: {  	_ = 	snop  }
0x6: {  	_ = 	snop  }
0x7: {  	_ = 	snop  }
__scs_overlays_trampoline_lowered:
0x8: {  	[smem:$0x3FAC] =	sst s0  }
0x9: {  	[smem:$0x3FAD] =	sst s1  }
0xa: {  	[smem:$0x3FAE] =	sst s2  }
0xb: {  	[smem:$0x3FAF] =	sst s3  }
0xc: {  	[smem:$0x3FB0] =	sst s4  }
0xd: {  	[smem:$0x3FB1] =	sst s5  }
0xe: {  	[smem:$0x3FB2] =	sst s6  }
0xf: {  	[smem:$0x3FB3] =	sst s7  }
0x10: {  	[smem:$0x3FB4] =	sst s8  }
0x11: {  	[smem:$0x3FB5] =	sst s9;
	s0 =	simm.s32 @!p0 $0x0  }
0x12: {  	s1 =	sld [smem:$0x3F9B];
	s0 =	simm.s32 @p0 $0x1  }
0x13: {  	[smem:$0x3FB6] =	sst s0;
	s0 =	simm.s32 @!p1 $0x0  }
0x14: {  	s2 =	sld [smem:$0x3F9A];
	s0 =	simm.s32 @p1 $0x1  }
0x15: {  	[smem:$0x3FB7] =	sst s0;
	s0 =	simm.s32 @!p2 $0x0  }
0x16: {  	s3 =	sld [smem:$0x3FDB];
	s0 =	simm.s32 @p2 $0x1  }
0x17: {  	s4 =	simm.s32 $0x1BF5;
	[smem:$0x3FB9] =	sst s0  }
0x18: {  	s0 =	sld [smem:$0x3F9C];
	_ =	swait.ge [sflag:s4], $0x0  }
0x19: {  	s7 =	sld [smem:$0x3F9D]  }
0x1a: {  	s8 =	sadd.s32 $0xFFFFE003, lr  }
0x1b: {  	s9 =	sadd.s32 $0xFFFFFEF7, lr;
	s5 =	simm.s32 $0xFFFFFFFF;
	p2 =	slt.u32 s8, $0xFFFFF086  }
0x1c: {  	p1 =	slt.u32 s9, $0xF7A;
	s5 =	simm.s32 @!p2 $0x0  }
0x1d: {  	s5 =	simm.s32 @p1 $0x1;
	p0 =	seq.s32 s7, s2  }
0x1e: {  	s7 =	smul.u32 @!p0 $0xF7A, s2;
	p2 =	seq.s32 @!p0 s5, $0x0  }
0x1f: {  	s9 =	smul.u32 $0xF7A, s1;
	s8 =	simm.s32 @!p0 $0x1BF5;
	p2 =	por !p2, p0  }
0x20: {  	[sflag:s8] =	ssyncset.s32 @!p0 $0xFFFFF086;
	s6 =	sadd.s32 @!p0 s3, s7;
	s7 =	simm.s32 @!p0 $0x108  }
0x21: {  	s3 =	sadd.s32 s3, s9;
	s6 =	sadd.s32 @!p0 $0x88, s6;
	s7 =	simm.s32 @p2 $0x1082  }
0x22: {  	[simem:s7], [sflag:s8] =	dma.local @!p0 [hbm:s6], $0xF7A  }
0x23: {  	s9 =	sor.u32 $0xD0000000, s2;
	s6 =	simm.s32 $0x108;
	_ =	swait.ge @!p0 [sflag:s8], $0x0  }
0x24: {  	s3 =	sadd.s32 $0x88, s3;
	s6 =	simm.s32 @!p1 $0x1082;
	[sflag:s4] =	ssyncset.s32 $0xFFFFF086  }
0x25: {  	[simem:s6], [sflag:s4] =	dma.local [hbm:s3], $0xF7A  }
0x26: {  	[smem:$0x3F9D] =	sst s1;
	(tag) =	ssettag s2;
	_ =	strace s9  }
0x27: {  	s1 =	sld [smem:$0x3FAD]  }
0x28: {  	s2 =	sld [smem:$0x3FAE]  }
0x29: {  	s4 =	sld [smem:$0x3FB0]  }
0x2a: {  	p0 =	seq.s32 s5, $0x0;
	s5 =	sld [smem:$0x3FB1]  }
0x2b: {  	s6 =	sld [smem:$0x3FB2]  }
0x2c: {  	s7 =	sld [smem:$0x3FB3]  }
0x2d: {  	s3 =	simm.s32 $0x108;
	s8 =	sld [smem:$0x3FB4]  }
0x2e: {  	s3 =	simm.s32 @!p0 $0x1082;
	s9 =	sld [smem:$0x3FB5]  }
0x2f: {  	lr =	sadd.s32 s0, s3;
	s0 =	sld [smem:$0x3FAC]  }
0x30: {  	s3 =	sld [smem:$0x3FAF]  }
0x31: {  	[smem:$0x3FB8] =	sst s10  }
0x32: {  	s10 =	sld [smem:$0x3FB6];
	_ =	sdelay $0x3  }
0x33: {  	p0 =	seq.s32 s10, $0x1;
	s10 =	sld [smem:$0x3FB8];
	_ =	sdelay $0x3  }
0x34: {  	[smem:$0x3FB8] =	sst s10  }
0x35: {  	s10 =	sld [smem:$0x3FB7];
	_ =	sdelay $0x3  }
0x36: {  	p1 =	seq.s32 s10, $0x1;
	s10 =	sld [smem:$0x3FB8];
	_ =	sdelay $0x3  }
0x37: {  	[smem:$0x3FB8] =	sst s10  }
0x38: {  	s10 =	sld [smem:$0x3FB9]  }
0x39: {  	_ = 	snop;
	(pc) =	sbr.ind lr, $3  }
0x3a: {  	_ = 	snop  }
0x3b: {  	_ = 	snop  }
0x3c: {  	p2 =	seq.s32 s10, $0x1;
	s10 =	sld [smem:$0x3FB8]  }
0x3d: {  	_ =	shalt  }
0x3e: {  	_ =	shalt  }
0x3f: {  	_ =	shalt  }
0x40: {  	_ =	shalt  }
0x41: {  	_ =	shalt  }
0x42: {  	_ =	shalt  }
0x43: {  	_ =	shalt  }
0x44: {  	_ =	shalt  }
0x45: {  	_ =	shalt  }
0x46: {  	_ =	shalt  }
0x47: {  	_ =	shalt  }
0x48: {  	_ =	shalt  }
0x49: {  	_ =	shalt  }
0x4a: {  	_ =	shalt  }
0x4b: {  	_ =	shalt  }
0x4c: {  	_ =	shalt  }
0x4d: {  	_ =	shalt  }
0x4e: {  	_ =	shalt  }
0x4f: {  	_ =	shalt  }
0x50: {  	_ =	shalt  }
0x51: {  	_ =	shalt  }
0x52: {  	_ =	shalt  }
0x53: {  	_ =	shalt  }
0x54: {  	_ =	shalt  }
0x55: {  	_ =	shalt  }
0x56: {  	_ =	shalt  }
0x57: {  	_ =	shalt  }
0x58: {  	_ =	shalt  }
0x59: {  	_ =	shalt  }
0x5a: {  	_ =	shalt  }
0x5b: {  	_ =	shalt  }
0x5c: {  	_ =	shalt  }
0x5d: {  	_ =	shalt  }
0x5e: {  	_ =	shalt  }
0x5f: {  	_ =	shalt  }
0x60: {  	_ =	shalt  }
0x61: {  	_ =	shalt  }
0x62: {  	_ =	shalt  }
0x63: {  	_ =	shalt  }
0x64: {  	_ =	shalt  }
0x65: {  	_ =	shalt  }
0x66: {  	_ =	shalt  }
0x67: {  	_ =	shalt  }
0x68: {  	_ =	shalt  }
0x69: {  	_ =	shalt  }
0x6a: {  	_ =	shalt  }
0x6b: {  	_ =	shalt  }
0x6c: {  	_ =	shalt  }
0x6d: {  	_ =	shalt  }
0x6e: {  	_ =	shalt  }
0x6f: {  	_ =	shalt  }
0x70: {  	_ =	shalt  }
0x71: {  	_ =	shalt  }
0x72: {  	_ =	shalt  }
0x73: {  	_ =	shalt  }
0x74: {  	_ =	shalt  }
0x75: {  	_ =	shalt  }
0x76: {  	_ =	shalt  }
0x77: {  	_ =	shalt  }
0x78: {  	_ =	shalt  }
0x79: {  	_ =	shalt  }
0x7a: {  	_ =	shalt  }
0x7b: {  	_ =	shalt  }
0x7c: {  	_ =	shalt  }
0x7d: {  	_ =	shalt  }
0x7e: {  	_ =	shalt  }
0x7f: {  	_ =	shalt  }
0x80: {  	_ =	shalt  }
0x81: {  	_ =	shalt  }
0x82: {  	_ =	shalt  }
0x83: {  	_ =	shalt  }
0x84: {  	_ =	shalt  }
0x85: {  	_ =	shalt  }
0x86: {  	_ =	shalt  }
0x87: {  	_ =	shalt  }
.Lfunc_end0:
.L_simem_size_0:
called_computation_lowered:
.L_overlay_start_0:
0x88: {  	s2 =	sld [smem:$0x3FD9]  }
0x89: {  	s3 =	sld [smem:$0x3FFE];
	_ =	sdelay $0x1  }
0x8a: {  	s1 =	srdreg.scid  }
0x8b: {  	s0 =	sand.u32 $0x1, s1  }
0x8c: {  	s16 =	sshll.u32 s0, $0xA;
	s2 =	sadd.s32 s3, s2  }
0x8d: {  	s2 =	sadd.s32 s2, s16  }
0x8e: {  	[smem:$0x3FC4] =	sst s2  }
0x8f: {  	_ = 	snop  }
0x90: {  	(tm) =	ssettm $0x1  }
0x91: {  	s17 =	sld [smem:$0x3FFB];
	_ =	sdelay $0x3  }
0x92: {  	_ =	strace s17  }
0x93: {  	s2 =	sld [smem:$0x3FFC];
	_ =	sdelay $0x3  }
0x94: {  	_ =	strace s2  }
0x95: {  	s2 =	sld [smem:$0x3FFD];
	_ =	sdelay $0x3  }
0x96: {  	_ =	strace s2  }
0x97: {  	_ =	strace $0x8FFFFFFF  }
0x98: {  	s18 =	sld [smem:$0x3FDB];
	_ =	sdelay $0x1  }
0x99: {  	s19 =	simm.s32 $_scs_section_size  }
0x9a: {  	s4 =	simm.s32 $_size__tile_overlayer_lowered;
	s5 =	simm.s32 $_tile_overlayer_lowered  }
0x9b: {  	s22 =	simm.s32 $0x1BFF;
	s21 =	sshll.u32 s5, $0x1;
	s2 =	sadd.s32 s19, s18  }
0x9c: {  	s6 =	simm.s32 $0x0;
	s20 =	sshll.u32 s4, $0x1;
	s4 =	sadd.s32 s21, s2  }
0x9d: {  	[timem:s6], [sflag:s22] =	dma.local [hbm:s4], s20  }
0x9e: {  	_ =	swait.ge [sflag:s22], s20  }
0x9f: {  	s3 =	ssub.s32 $0x0, s20;
	[sflag:s22] =	ssyncset.done $0x0  }
0xa0: {  	[sflag:s22] =	ssyncadd.s32 s3;
	_ =	sdelay $0x1  }
0xa1: {  	s23 =	simm.s32 $0x1B8B  }
0xa2: {  	_ =	swait.ge [sflag:s23], $0x1  }
0xa3: {  	[sflag:s23] =	ssyncset.done $0x0  }
0xa4: {  	s25 =	simm.s32 $0x1B8E;
	s24 =	sld [smem:$0x3FFE];
	[sflag:s23] =	ssyncadd.s32 $0xFFFFFFFF  }
0xa5: {  	s26 =	simm.s32 $execute0_lowered;
	[smem:$0x3FD2] =	sst s25  }
0xa6: {  	s4 =	sshll.u32 s26, $0x1;
	_ =	strace $0x80000046;
	[dreg:$0x1] =	wrdreg $0xFFFFFFFF  }
0xa7: {  	s28 =	simm.s32 $_size_execute0_lowered;
	s2 =	sadd.s32 s2, s4;
	[dreg:$0x0] =	wrdreg $0x0  }
0xa8: {  	s4 =	sshll.u32 s28, $0x1;
	[dreg:$0x2] =	wrdreg s2  }
0xa9: {  	[dreg:$0x3] =	wrdreg s4  }
0xaa: {  	[dreg:$0x4] =	wrdreg $0xC0  }
0xab: {  	_ =	task [dreg:s6], $0x5FFFF  }
0xac: {  	[dreg:$0x1] =	wrdreg $0xFFFFFFFF  }
0xad: {  	[dreg:$0x0] =	wrdreg $0x60  }
0xae: {  	[dreg:$0x2] =	wrdreg s24  }
0xaf: {  	[dreg:$0x3] =	wrdreg $0x9  }
0xb0: {  	_ =	task.clear_ibuf [dreg:s6], $0x4FFFF;
	_ =	strace $0x90000046  }
0xb1: {  	s29 =	simm.s32 $0x9;
	_ =	strace $0x80000048  }
0xb2: {  	_ =	swait.ge [sflag:s29], $0x1  }
0xb3: {  	[sflag:s29] =	ssyncadd.s32 $0xFFFFFFFF  }
0xb4: {  	_ =	strace $0x90000048  }
0xb5: {  	_ =	sfence  }
0xb6: {  	s30 =	sld [smem:$0x0];
	_ =	sdelay $0x2  }
0xb7: {  	s31 =	sshll.u32 s1, $0xD;
	s1 =	sshrl.u32 s1, $0x2  }
0xb8: {  	s3 =	sand.u32 $0x4000, s31;
	s1 =	sadd.s32 s1, s30  }
0xb9: {  	s0 =	sor.u32 s3, s0;
	s1 =	sshll.u32 s1, $0x11  }
0xba: {  	s0 =	sor.u32 s1, s0  }
0xbb: {  	s0 =	sadd.s32 $0x8F2B, s0  }
0xbc: {  	[sflag:s0] =	ssyncadd.remote.s32 $0x1  }
0xbd: {  	_ =	sfence.sel $0xFFFF  }
0xbe: {  	[dreg:$0x0] =	wrdreg $0xFFFFFFFF;
	(pc) =	sbr.abs _section_cstart, $3  }
0xbf: {  	[dreg:$0x1] =	wrdreg $0xFFFFFFFF  }
0xc0: {  	_ =	task.clear_ibuf [dreg:s6], $0x2FFFF;
	_ =	strace $0x9FFFFFFF  }
0xc1: {  	(tm) =	ssettm $0x7FFFFFFF  }
tec
execute0_lowered:
.L_overlay_start_1:
0x0: {  	(tag) =	ssettag $0x1  }
0x1: {  	s0 =	srdreg.scid  }
0x2: {  	s5 =	rddreg [dreg:$0x0];
	s3 =	sand.u32 $0x1, s0  }
0x3: {  	s2 =	simm.s32 $0x0;
	s0 =	stileid.u32;
	s1 =	sshll.u32 s3, $0x4  }
0x4: {  	s8 =	simm.s32 $0x80;
	s9 =	simm.s32 $0x400;
	s4 =	sor.u32 s0, s1  }
0x5: {  	s10 =	simm.s32 $0x0;
	[smem:$0x7FF] =	sst s2;
	s1 =	sshrl.u32 s4, $0x3  }
0x6: {  	s7 =	sshll.u32 s0, $0x7;
	s3 =	ssub.s32 $0x2, s3;
	s6 =	smul.u32 $0x14000, s1  }
0x7: {  	s7 =	sand.u32 $0x380, s7;
	s31 =	sshrl.u32 s3, $0x1;
	s4 =	smul.u32 $0x500, s4  }
0x8: {  	s1 =	rddreg [dreg:$0x1];
	_ =	strace $0x80000047;
	s6 =	sor.u32 s7, s6  }
0x9: {  	s4 =	sadd.s32 s4, s5;
	s7 =	simm.s32 $0x2800;
	s6 =	sshrl.u32 s6, $0x3  }
0xa: {  	s5 =	sadd.s32 s6, s5;
	s6 =	ssub.s32 s3, s31;
	s3 =	sadd.s32 $0x1E00, s4  }
0xb: {  	v0 =	vimm.f32 $0.0e+00;
	v1 =	vimm.f32 $1.000000000e+00;
	s4 =	sadd.s32 $0xBE00, s5;
	s5 =	smax.u32 s6, $0x1;
	s6 =	simm.s32 $0x1  }
.LBB2_1:
0xc: {  	[tilespmem:s2], [sflag:$0x1] =	stream.linear.gather [hbm4b:s3+s2], $0x2800, $0x38;
	[tilespmem:$0x5000] =	vst v63  }
0xd: {  	_ =	swait.ge [sflag:s6], $0x2800  }
0xe: {  	[sflag:s6] =	ssyncset.done $0x0  }
0xf: {  	s11 =	simm.s32 $0x0;
	[sflag:s6] =	ssyncadd.s32 $0xFFFFD800  }
.LBB2_2:
0x10: {  	p0 =	sne.s32 s11, $0x9FC0  }
.Ltmp0:
0x11: {  	_ = 	snop;
	(pc) =	sbr.rel @p0 .LBB2_2-.Ltmp0, $3  }
0x12: {  	_ =	sdelay $0x1  }
0x13: {  	s12 =	sshra.s32 s11, $0x2  }
0x14: {  	s11 =	sadd.s32 $0x40, s11;
	[tilespmem:s12+$0x2800] =	vst v0  }
0x15: {  	s11 =	simm.s32 $0x1C0  }
.LBB2_4:
0x16: {  	s12 =	sshra.s32 s11, $0x2  }
0x17: {  	v2 =	vld [tilespmem:s12+$0xFFFFFF90];
	_ =	sdelay $0x7  }
0x18: {  	[tilespmem:v2+s7+$0x0] =	vst.idx.add.f32.msk $0xffff, v1  }
0x19: {  	v2 =	vld [tilespmem:s12+$0xFFFFFFA0];
	_ =	sdelay $0x7  }
0x1a: {  	[tilespmem:v2+s7+$0x0] =	vst.idx.add.f32.msk $0xffff, v1  }
0x1b: {  	v2 =	vld [tilespmem:s12+$0xFFFFFFB0];
	_ =	sdelay $0x7  }
0x1c: {  	[tilespmem:v2+s7+$0x0] =	vst.idx.add.f32.msk $0xffff, v1  }
0x1d: {  	v2 =	vld [tilespmem:s12+$0xFFFFFFC0];
	_ =	sdelay $0x7  }
0x1e: {  	[tilespmem:v2+s7+$0x0] =	vst.idx.add.f32.msk $0xffff, v1  }
0x1f: {  	v2 =	vld [tilespmem:s12+$0xFFFFFFD0];
	_ =	sdelay $0x7  }
0x20: {  	[tilespmem:v2+s7+$0x0] =	vst.idx.add.f32.msk $0xffff, v1  }
0x21: {  	v2 =	vld [tilespmem:s12+$0xFFFFFFE0];
	_ =	sdelay $0x7  }
0x22: {  	[tilespmem:v2+s7+$0x0] =	vst.idx.add.f32.msk $0xffff, v1  }
0x23: {  	v2 =	vld [tilespmem:s12+$0xFFFFFFF0];
	_ =	sdelay $0x7  }
0x24: {  	[tilespmem:v2+s7+$0x0] =	vst.idx.add.f32.msk $0xffff, v1  }
0x25: {  	v2 =	vld [tilespmem:s12+$0x0];
	_ =	sdelay $0x2  }
0x26: {  	p0 =	sne.s32 s11, $0x9FC0  }
.Ltmp1:
0x27: {  	_ = 	snop;
	(pc) =	sbr.rel @p0 .LBB2_4-.Ltmp1, $2  }
0x28: {  	_ =	sdelay $0x2  }
0x29: {  	s11 =	sadd.s32 $0x200, s11;
	[tilespmem:v2+s7+$0x0] =	vst.idx.add.f32.msk $0xffff, v1  }
0x2a: {  	s10 =	sadd.s32 $0x1, s10  }
0x2b: {  	p0 =	sne.s32 s10, s5  }
.Ltmp2:
0x2c: {  	_ = 	snop;
	(pc) =	sbr.rel @p0 .LBB2_1-.Ltmp2, $4  }
0x2d: {  	[hbm4b:s4+s8] =	stream.strided.scatter [tilespmem:s7], [sflag:$0x1], $0x2800, s9, s8, $0x38;
	[tilespmem:$0x5000] =	vst v63  }
0x2e: {  	_ =	swait.ge [sflag:s6], $0x2800  }
0x2f: {  	[sflag:s6] =	ssyncset.done $0x0  }
0x30: {  	[sflag:s6] =	ssyncadd.s32 $0xFFFFD800  }
0x31: {  	_ =	sfence.sel $0x180000  }
0x32: {  	[bflag:$0x0] =	sbarrier.arrive $0xFFFF  }
0x33: {  	p0 =	sne.s32 s0, $0x0;
	_ =	strace $0x90000047  }
0x34: {  	s0 =	sadd.s32 @!p0 $0x100000, s1;
	[bflag:$0x2] =	sbarrier.arrive $0xFFFF  }
0x35: {  	[sflag:s0] =	ssyncadd.tile.s32 @!p0 $0x1;
	_ =	shalt  }
.Lfunc_end2:
_tile_overlayer_lowered:
.L_overlay_start_2:
0x36: {  	(tag) =	ssettag $0x2  }
0x37: {  	s0 =	rddreg [dreg:$0x0];
	s2 =	stileid.u32  }
0x38: {  	s1 =	rddreg [dreg:$0x1];
	p0 =	sne.s32 s2, $0x0  }
0x39: {  	s3 =	rddreg [dreg:$0x2];
	[bflag:$0x3] =	sbarrier.arrive $0xFFFF;
	s2 =	simm.s32 @!p0 $0x1C01  }
0x3a: {  	[timem:s3], [sflag:s2] =	dma.local @!p0 [hbm:s0], s1  }
0x3b: {  	s0 =	simm.s32 @!p0 $0x1  }
0x3c: {  	_ =	swait.ge @!p0 [sflag:s0], s1  }
0x3d: {  	s1 =	ssub.s32 @!p0 $0x0, s1;
	[sflag:s0] =	ssyncset.done @!p0 $0x0  }
0x3e: {  	[sflag:s0] =	ssyncadd.s32 @!p0 s1  }
0x3f: {  	[bflag:$0x3] =	sbarrier.arrive $0xFFFF  }
0x40: {  	_ =	shalt  }

</sc_bundles>
